<compile_context>
chip_gen: v7x
topology: tpu7x:2x2x1
jax: 0.10.2.dev20260603
libtpu: 0.0.44.dev20260713+nightly
codegen_flags: <defaults>
</compile_context>

<pallas_src>
import jax
import jax.numpy as jnp
from jax import lax
from jax.experimental import pallas as pl
from jax.experimental.pallas import tpu as pltpu
from jax.experimental.pallas import tpu_sc as plsc

_VOCAB = 1000000
_D = 64
_PADW = 128
_BATCH = 16384
_HIST = 20
_N = _BATCH * _HIST

_NC = 2
_NS = 16
_NW = _NC * _NS
_BPW = _BATCH // _NW
_PER_W = _N // _NW
_BPC = 8
_CHUNK = _BPC * _HIST
_NCHUNK = _PER_W // _CHUNK

_mesh = plsc.VectorSubcoreMesh(
    core_axis_name="c", subcore_axis_name="s",
    num_cores=_NC, num_subcores=_NS,
)


def _body(idx_hbm, tab_hbm, out_hbm, idx_v, gbufs, gsems, osems):
    wid = lax.axis_index("s") * _NC + lax.axis_index("c")
    r0 = wid * _PER_W
    pltpu.sync_copy(idx_hbm.at[pl.ds(r0, _PER_W)], idx_v)

    def fire_gather(c, p):
        for half in range(2):
            pltpu.async_copy(
                tab_hbm.at[idx_v.at[pl.ds(c * _CHUNK + half * 80, 80)]],
                gbufs.at[p, pl.ds(half * 80, 80)], gsems.at[p])

    def drain_gather(p):
        pltpu.make_async_copy(tab_hbm.at[pl.ds(0, _CHUNK)], gbufs.at[p],
                              gsems.at[p]).wait()

    def fire_out(c, p):
        for k in range(_BPC):
            pltpu.async_copy(
                gbufs.at[p, pl.ds(k * _HIST, _HIST), pl.ds(0, _D)],
                out_hbm.at[wid * _BPW + c * _BPC + k],
                osems.at[p])

    def wait_out(p):
        for _ in range(_BPC):
            pltpu.make_async_copy(
                gbufs.at[p, pl.ds(0, _HIST), pl.ds(0, _D)],
                out_hbm.at[0],
                osems.at[p]).wait()

    fire_gather(0, 0)

    def step(s, carry):
        for p in range(2):
            c = 2 * s + p

            @pl.when(c + 1 < _NCHUNK)
            def _():
                fire_gather(c + 1, 1 - p)

            drain_gather(p)

            @pl.when(c >= 2)
            def _():
                wait_out(p)

            fire_out(c, p)
        return carry

    lax.fori_loop(0, _NCHUNK // 2, step, 0)
    wait_out(0)
    wait_out(1)


_gather = pl.kernel(
    _body,
    out_type=jax.ShapeDtypeStruct((_BATCH, _HIST, _D), jnp.float32),
    mesh=_mesh,
    scratch_types=[
        pltpu.VMEM((_PER_W,), jnp.int32),
        pltpu.VMEM((2, _CHUNK, _PADW), jnp.float32),
        pltpu.SemaphoreType.DMA((2,)),
        pltpu.SemaphoreType.DMA((2,)),
    ],
    compiler_params=pltpu.CompilerParams(use_tc_tiling_on_sc=False),
)


def kernel(inputs, w, b):
    idx = inputs.astype(jnp.int32).reshape(_N)
    w2 = jnp.pad(w, ((0, 0), (0, _PADW - _D)))
    return _gather(idx, w2)

# --- scband reference (transcript-rebuilt; emitter-appended) ---
"""Pipeline reference for scband-tied-embedding-softmax-50431505989863 (READ-ONLY COPY).

The authoritative reference and input builder live on the scoring server;
editing this copy changes nothing except your own understanding.
"""

import jax, jax.numpy as jnp
import numpy as np

VOCAB_SIZE = 1000000
EMBED_DIM = 64
BATCH = 16384
HIST = 20

def setup_inputs(seed: int = 0) -> dict:
    key = jax.random.key(seed)
    k1, k2 = jax.random.split(key)
    inputs = jax.random.randint(k1, (BATCH, HIST), 0, VOCAB_SIZE, dtype=jnp.int64 if jax.config.jax_enable_x64 else jnp.int32)
    w = 0.01 * jax.random.normal(k2, (VOCAB_SIZE, EMBED_DIM), dtype=jnp.float32)
    b = jnp.zeros((VOCAB_SIZE,), dtype=jnp.float32)
    return {"inputs": inputs, "w": w, "b": b}

def reference(inputs, w, b):
    # TiedEmbeddingSoftmax.forward with embed=True:
    # torch.nn.functional.embedding(inputs, self.w)
    return jnp.take(w, inputs, axis=0)

if __name__ == "__main__":
    import jax
    _d = setup_inputs()
    print(jax.jit(kernel)(*tuple(_d.values())))

</pallas_src>

<mosaic_0001>
#map = affine_map<(d0, d1) -> (0)>
#map1 = affine_map<(d0, d1) -> (0, 0)>
#map2 = affine_map<(d0, d1) -> (0, 0, 0)>
module attributes {stable_mosaic.version = 14 : i64} {
  func.func @_body(%arg0: i32, %arg1: i32, %arg2: memref<327680xi32, #tpu.memory_space<hbm>>, %arg3: memref<1000000x128xf32, #tpu.memory_space<hbm>>, %arg4: memref<16384x20x64xf32, #tpu.memory_space<hbm>>, %arg5: memref<10240xi32, #tpu.memory_space<vmem>>, %arg6: memref<2x160x128xf32, #tpu.memory_space<vmem>>, %arg7: memref<2x!tpu.dma_semaphore, #tpu.memory_space<semaphore_mem>>, %arg8: memref<2x!tpu.dma_semaphore, #tpu.memory_space<semaphore_mem>>) attributes {dimension_semantics = [#tpu.dimension_semantics<core_parallel>, #tpu.dimension_semantics<subcore_parallel>], iteration_bounds = array<i64: 2, 16>, scalar_prefetch = 0 : i64, scratch_operands = 4 : i64, tpu.core_type = #tpu.core_type<sc_vector_subcore>, window_params = [{transform_indices = #map}, {transform_indices = #map1}, {transform_indices = #map2}]} {
    %mul3A = arith.constant 2 : i32
    %mul3A_0 = arith.muli %arg1, %mul3A : i32
    %add3A = arith.addi %mul3A_0, %arg0 : i32
    %mul3A_1 = arith.constant 10240 : i32
    %mul3A_2 = arith.muli %add3A, %mul3A_1 : i32
    "tpu.region"() ({
      %run_scoped3A = tpu.sem_alloc : memref<!tpu.dma_semaphore, #tpu.memory_space<semaphore_mem>>
      %dma_start3A_368 = tpu.memref_slice %arg2[%mul3A_2] : memref<327680xi32, #tpu.memory_space<hbm>> -> memref<10240xi32, #tpu.memory_space<hbm>>
      %dma_start3A_369 = tpu.memref_slice %arg2[%mul3A_2] : memref<327680xi32, #tpu.memory_space<hbm>> -> memref<10240xi32, #tpu.memory_space<hbm>>
      tpu.enqueue_dma source(%dma_start3A_369 : memref<10240xi32, #tpu.memory_space<hbm>>) target(%arg5 : memref<10240xi32, #tpu.memory_space<vmem>>) target_semaphore(%run_scoped3A : memref<!tpu.dma_semaphore, #tpu.memory_space<semaphore_mem>>)
      %dma_wait3A_370 = tpu.memref_slice %arg2[%mul3A_2] : memref<327680xi32, #tpu.memory_space<hbm>> -> memref<10240xi32, #tpu.memory_space<hbm>>
      %dma_wait3A_371 = tpu.memref_slice %arg2[%mul3A_2] : memref<327680xi32, #tpu.memory_space<hbm>> -> memref<10240xi32, #tpu.memory_space<hbm>>
      tpu.wait_dma2 semaphore(%run_scoped3A : memref<!tpu.dma_semaphore, #tpu.memory_space<semaphore_mem>>) src(%dma_wait3A_371 : memref<10240xi32, #tpu.memory_space<hbm>>) dst(%arg5 : memref<10240xi32, #tpu.memory_space<vmem>>)
      tpu.yield
    }) : () -> ()
    %dma_start3A = arith.constant 0 : i32
    %dma_start3A_3 = arith.constant 0 : i32
    %dma_start3A_4 = arith.constant 0 : i32
    %dma_start3A_5 = arith.constant 0 : i32
    %dma_start3A_6 = tpu.memref_slice %arg6[%dma_start3A, %dma_start3A_4, %dma_start3A_5] : memref<2x160x128xf32, #tpu.memory_space<vmem>> -> memref<1x80x128xf32, #tpu.memory_space<vmem>>
    %dma_start3A_7 = tpu.memref_squeeze %dma_start3A_6 : memref<1x80x128xf32, #tpu.memory_space<vmem>> -> memref<80x128xf32, #tpu.memory_space<vmem>>
    %dma_start3A_8 = arith.constant 0 : i32
    %dma_start3A_9 = tpu.memref_slice %arg5[%dma_start3A_8] : memref<10240xi32, #tpu.memory_space<vmem>> -> memref<80xi32, #tpu.memory_space<vmem>>
    %dma_start3A_10 = arith.constant 0 : i32
    %dma_start3A_11 = arith.constant 0 : i32
    %dma_start3A_12 = tpu.memref_slice %arg3[%dma_start3A_10, %dma_start3A_11] : memref<1000000x128xf32, #tpu.memory_space<hbm>> -> memref<1000000x128xf32, #tpu.memory_space<hbm>>
    %dma_start3A_13 = tpu.memref_slice %arg7[%dma_start3A_3] : memref<2x!tpu.dma_semaphore, #tpu.memory_space<semaphore_mem>> -> memref<1x!tpu.dma_semaphore, #tpu.memory_space<semaphore_mem>>
    %dma_start3A_14 = tpu.memref_squeeze %dma_start3A_13 : memref<1x!tpu.dma_semaphore, #tpu.memory_space<semaphore_mem>> -> memref<!tpu.dma_semaphore, #tpu.memory_space<semaphore_mem>>
    tpu.enqueue_indirect_dma source(%dma_start3A_12 : memref<1000000x128xf32, #tpu.memory_space<hbm>>) target(%dma_start3A_7 : memref<80x128xf32, #tpu.memory_space<vmem>>) offsets(%dma_start3A_9 : memref<80xi32, #tpu.memory_space<vmem>>) semaphore(%dma_start3A_14 : memref<!tpu.dma_semaphore, #tpu.memory_space<semaphore_mem>>)
    %dma_start3A_15 = arith.constant 0 : i32
    %dma_start3A_16 = arith.constant 0 : i32
    %dma_start3A_17 = arith.constant 80 : i32
    %dma_start3A_18 = arith.constant 0 : i32
    %dma_start3A_19 = tpu.memref_slice %arg6[%dma_start3A_15, %dma_start3A_17, %dma_start3A_18] : memref<2x160x128xf32, #tpu.memory_space<vmem>> -> memref<1x80x128xf32, #tpu.memory_space<vmem>>
    %dma_start3A_20 = tpu.memref_squeeze %dma_start3A_19 : memref<1x80x128xf32, #tpu.memory_space<vmem>> -> memref<80x128xf32, #tpu.memory_space<vmem>>
    %dma_start3A_21 = arith.constant 80 : i32
    %dma_start3A_22 = tpu.memref_slice %arg5[%dma_start3A_21] : memref<10240xi32, #tpu.memory_space<vmem>> -> memref<80xi32, #tpu.memory_space<vmem>>
    %dma_start3A_23 = arith.constant 0 : i32
    %dma_start3A_24 = arith.constant 0 : i32
    %dma_start3A_25 = tpu.memref_slice %arg3[%dma_start3A_23, %dma_start3A_24] : memref<1000000x128xf32, #tpu.memory_space<hbm>> -> memref<1000000x128xf32, #tpu.memory_space<hbm>>
    %dma_start3A_26 = tpu.memref_slice %arg7[%dma_start3A_16] : memref<2x!tpu.dma_semaphore, #tpu.memory_space<semaphore_mem>> -> memref<1x!tpu.dma_semaphore, #tpu.memory_space<semaphore_mem>>
    %dma_start3A_27 = tpu.memref_squeeze %dma_start3A_26 : memref<1x!tpu.dma_semaphore, #tpu.memory_space<semaphore_mem>> -> memref<!tpu.dma_semaphore, #tpu.memory_space<semaphore_mem>>
    tpu.enqueue_indirect_dma source(%dma_start3A_25 : memref<1000000x128xf32, #tpu.memory_space<hbm>>) target(%dma_start3A_20 : memref<80x128xf32, #tpu.memory_space<vmem>>) offsets(%dma_start3A_22 : memref<80xi32, #tpu.memory_space<vmem>>) semaphore(%dma_start3A_27 : memref<!tpu.dma_semaphore, #tpu.memory_space<semaphore_mem>>)
    %scan3A = arith.constant 0 : i32
    %scan3A_28 = arith.constant 0 : i32
    %scan3A_29 = arith.constant 32 : i32
    %scan3A_30 = arith.addi %scan3A_28, %scan3A_29 : i32
    %scan3A_31 = arith.constant 1 : i32
    scf.for %scan3A_368 = %scan3A_28 to %scan3A_30 step %scan3A_31  : i32 {
      %mul3A_369 = arith.constant 2 : i32
      %mul3A_370 = arith.muli %mul3A_369, %scan3A_368 : i32
      %add3A_371 = arith.constant 0 : i32
      %add3A_372 = arith.addi %mul3A_370, %add3A_371 : i32
      %add3A_373 = arith.constant 1 : i32
      %add3A_374 = arith.addi %add3A_372, %add3A_373 : i32
      %lt3A = arith.constant 64 : i32
      %lt3A_375 = arith.cmpi slt, %add3A_374, %lt3A : i32
      %convert_element_type3A = arith.extui %lt3A_375 : i1 to i32
      %cond3A = arith.constant 0 : i32
      %cond3A_376 = arith.cmpi ne, %convert_element_type3A, %cond3A : i32
      scf.if %cond3A_376 {
        %add3A_865 = arith.constant 1 : i32
        %add3A_866 = arith.addi %add3A_372, %add3A_865 : i32
        %mul3A_867 = arith.constant 160 : i32
        %mul3A_868 = arith.muli %add3A_866, %mul3A_867 : i32
        %add3A_869 = arith.constant 0 : i32
        %add3A_870 = arith.addi %mul3A_868, %add3A_869 : i32
        %dma_start3A_871 = arith.constant 1 : i32
        %dma_start3A_872 = arith.constant 1 : i32
        %dma_start3A_873 = arith.constant 0 : i32
        %dma_start3A_874 = arith.constant 0 : i32
        %dma_start3A_875 = tpu.memref_slice %arg6[%dma_start3A_871, %dma_start3A_873, %dma_start3A_874] : memref<2x160x128xf32, #tpu.memory_space<vmem>> -> memref<1x80x128xf32, #tpu.memory_space<vmem>>
        %dma_start3A_876 = tpu.memref_squeeze %dma_start3A_875 : memref<1x80x128xf32, #tpu.memory_space<vmem>> -> memref<80x128xf32, #tpu.memory_space<vmem>>
        %dma_start3A_877 = tpu.memref_slice %arg5[%add3A_870] : memref<10240xi32, #tpu.memory_space<vmem>> -> memref<80xi32, #tpu.memory_space<vmem>>
        %dma_start3A_878 = arith.constant 0 : i32
        %dma_start3A_879 = arith.constant 0 : i32
        %dma_start3A_880 = tpu.memref_slice %arg3[%dma_start3A_878, %dma_start3A_879] : memref<1000000x128xf32, #tpu.memory_space<hbm>> -> memref<1000000x128xf32, #tpu.memory_space<hbm>>
        %dma_start3A_881 = tpu.memref_slice %arg7[%dma_start3A_872] : memref<2x!tpu.dma_semaphore, #tpu.memory_space<semaphore_mem>> -> memref<1x!tpu.dma_semaphore, #tpu.memory_space<semaphore_mem>>
        %dma_start3A_882 = tpu.memref_squeeze %dma_start3A_881 : memref<1x!tpu.dma_semaphore, #tpu.memory_space<semaphore_mem>> -> memref<!tpu.dma_semaphore, #tpu.memory_space<semaphore_mem>>
        tpu.enqueue_indirect_dma source(%dma_start3A_880 : memref<1000000x128xf32, #tpu.memory_space<hbm>>) target(%dma_start3A_876 : memref<80x128xf32, #tpu.memory_space<vmem>>) offsets(%dma_start3A_877 : memref<80xi32, #tpu.memory_space<vmem>>) semaphore(%dma_start3A_882 : memref<!tpu.dma_semaphore, #tpu.memory_space<semaphore_mem>>)
        %mul3A_883 = arith.constant 160 : i32
        %mul3A_884 = arith.muli %add3A_866, %mul3A_883 : i32
        %add3A_885 = arith.constant 80 : i32
        %add3A_886 = arith.addi %mul3A_884, %add3A_885 : i32
        %dma_start3A_887 = arith.constant 1 : i32
        %dma_start3A_888 = arith.constant 1 : i32
        %dma_start3A_889 = arith.constant 80 : i32
        %dma_start3A_890 = arith.constant 0 : i32
        %dma_start3A_891 = tpu.memref_slice %arg6[%dma_start3A_887, %dma_start3A_889, %dma_start3A_890] : memref<2x160x128xf32, #tpu.memory_space<vmem>> -> memref<1x80x128xf32, #tpu.memory_space<vmem>>
        %dma_start3A_892 = tpu.memref_squeeze %dma_start3A_891 : memref<1x80x128xf32, #tpu.memory_space<vmem>> -> memref<80x128xf32, #tpu.memory_space<vmem>>
        %dma_start3A_893 = tpu.memref_slice %arg5[%add3A_886] : memref<10240xi32, #tpu.memory_space<vmem>> -> memref<80xi32, #tpu.memory_space<vmem>>
        %dma_start3A_894 = arith.constant 0 : i32
        %dma_start3A_895 = arith.constant 0 : i32
        %dma_start3A_896 = tpu.memref_slice %arg3[%dma_start3A_894, %dma_start3A_895] : memref<1000000x128xf32, #tpu.memory_space<hbm>> -> memref<1000000x128xf32, #tpu.memory_space<hbm>>
        %dma_start3A_897 = tpu.memref_slice %arg7[%dma_start3A_888] : memref<2x!tpu.dma_semaphore, #tpu.memory_space<semaphore_mem>> -> memref<1x!tpu.dma_semaphore, #tpu.memory_space<semaphore_mem>>
        %dma_start3A_898 = tpu.memref_squeeze %dma_start3A_897 : memref<1x!tpu.dma_semaphore, #tpu.memory_space<semaphore_mem>> -> memref<!tpu.dma_semaphore, #tpu.memory_space<semaphore_mem>>
        tpu.enqueue_indirect_dma source(%dma_start3A_896 : memref<1000000x128xf32, #tpu.memory_space<hbm>>) target(%dma_start3A_892 : memref<80x128xf32, #tpu.memory_space<vmem>>) offsets(%dma_start3A_893 : memref<80xi32, #tpu.memory_space<vmem>>) semaphore(%dma_start3A_898 : memref<!tpu.dma_semaphore, #tpu.memory_space<semaphore_mem>>)
      } else {
      }
      %dma_wait3A_377 = arith.constant 0 : i32
      %dma_wait3A_378 = arith.constant 0 : i32
      %dma_wait3A_379 = arith.constant 0 : i32
      %dma_wait3A_380 = arith.constant 0 : i32
      %dma_wait3A_381 = tpu.memref_slice %arg6[%dma_wait3A_377, %dma_wait3A_379, %dma_wait3A_380] : memref<2x160x128xf32, #tpu.memory_space<vmem>> -> memref<1x160x128xf32, #tpu.memory_space<vmem>>
      %dma_wait3A_382 = tpu.memref_squeeze %dma_wait3A_381 : memref<1x160x128xf32, #tpu.memory_space<vmem>> -> memref<160x128xf32, #tpu.memory_space<vmem>>
      %dma_wait3A_383 = arith.constant 0 : i32
      %dma_wait3A_384 = arith.constant 0 : i32
      %dma_wait3A_385 = tpu.memref_slice %arg3[%dma_wait3A_383, %dma_wait3A_384] : memref<1000000x128xf32, #tpu.memory_space<hbm>> -> memref<160x128xf32, #tpu.memory_space<hbm>>
      %dma_wait3A_386 = tpu.memref_slice %arg7[%dma_wait3A_378] : memref<2x!tpu.dma_semaphore, #tpu.memory_space<semaphore_mem>> -> memref<1x!tpu.dma_semaphore, #tpu.memory_space<semaphore_mem>>
      %dma_wait3A_387 = tpu.memref_squeeze %dma_wait3A_386 : memref<1x!tpu.dma_semaphore, #tpu.memory_space<semaphore_mem>> -> memref<!tpu.dma_semaphore, #tpu.memory_space<semaphore_mem>>
      %dma_wait3A_388 = arith.constant 0 : i32
      %dma_wait3A_389 = arith.constant 0 : i32
      %dma_wait3A_390 = tpu.memref_slice %arg6[%dma_wait3A_377, %dma_wait3A_388, %dma_wait3A_389] : memref<2x160x128xf32, #tpu.memory_space<vmem>> -> memref<1x160x128xf32, #tpu.memory_space<vmem>>
      %dma_wait3A_391 = tpu.memref_squeeze %dma_wait3A_390 : memref<1x160x128xf32, #tpu.memory_space<vmem>> -> memref<160x128xf32, #tpu.memory_space<vmem>>
      %dma_wait3A_392 = arith.constant 0 : i32
      %dma_wait3A_393 = arith.constant 0 : i32
      %dma_wait3A_394 = tpu.memref_slice %arg3[%dma_wait3A_392, %dma_wait3A_393] : memref<1000000x128xf32, #tpu.memory_space<hbm>> -> memref<160x128xf32, #tpu.memory_space<hbm>>
      tpu.wait_dma2 semaphore(%dma_wait3A_387 : memref<!tpu.dma_semaphore, #tpu.memory_space<semaphore_mem>>) src(%dma_wait3A_394 : memref<160x128xf32, #tpu.memory_space<hbm>>) dst(%dma_wait3A_391 : memref<160x128xf32, #tpu.memory_space<vmem>>)
      %ge3A = arith.constant 2 : i32
      %ge3A_395 = arith.cmpi sge, %add3A_372, %ge3A : i32
      %convert_element_type3A_396 = arith.extui %ge3A_395 : i1 to i32
      %cond3A_397 = arith.constant 0 : i32
      %cond3A_398 = arith.cmpi ne, %convert_element_type3A_396, %cond3A_397 : i32
      scf.if %cond3A_398 {
        %dma_wait3A_865 = arith.constant 0 : i32
        %dma_wait3A_866 = arith.constant 0 : i32
        %dma_wait3A_867 = arith.constant 0 : i32
        %dma_wait3A_868 = arith.constant 0 : i32
        %dma_wait3A_869 = arith.constant 0 : i32
        %dma_wait3A_870 = tpu.memref_slice %arg6[%dma_wait3A_865, %dma_wait3A_868, %dma_wait3A_869] : memref<2x160x128xf32, #tpu.memory_space<vmem>> -> memref<1x20x64xf32, #tpu.memory_space<vmem>>
        %dma_wait3A_871 = tpu.memref_squeeze %dma_wait3A_870 : memref<1x20x64xf32, #tpu.memory_space<vmem>> -> memref<20x64xf32, #tpu.memory_space<vmem>>
        %dma_wait3A_872 = arith.constant 0 : i32
        %dma_wait3A_873 = arith.constant 0 : i32
        %dma_wait3A_874 = tpu.memref_slice %arg4[%dma_wait3A_866, %dma_wait3A_872, %dma_wait3A_873] : memref<16384x20x64xf32, #tpu.memory_space<hbm>> -> memref<1x20x64xf32, #tpu.memory_space<hbm>>
        %dma_wait3A_875 = tpu.memref_squeeze %dma_wait3A_874 : memref<1x20x64xf32, #tpu.memory_space<hbm>> -> memref<20x64xf32, #tpu.memory_space<hbm>>
        %dma_wait3A_876 = tpu.memref_slice %arg8[%dma_wait3A_867] : memref<2x!tpu.dma_semaphore, #tpu.memory_space<semaphore_mem>> -> memref<1x!tpu.dma_semaphore, #tpu.memory_space<semaphore_mem>>
        %dma_wait3A_877 = tpu.memref_squeeze %dma_wait3A_876 : memref<1x!tpu.dma_semaphore, #tpu.memory_space<semaphore_mem>> -> memref<!tpu.dma_semaphore, #tpu.memory_space<semaphore_mem>>
        %dma_wait3A_878 = arith.constant 0 : i32
        %dma_wait3A_879 = arith.constant 0 : i32
        %dma_wait3A_880 = tpu.memref_slice %arg4[%dma_wait3A_866, %dma_wait3A_878, %dma_wait3A_879] : memref<16384x20x64xf32, #tpu.memory_space<hbm>> -> memref<1x20x64xf32, #tpu.memory_space<hbm>>
        %dma_wait3A_881 = tpu.memref_squeeze %dma_wait3A_880 : memref<1x20x64xf32, #tpu.memory_space<hbm>> -> memref<20x64xf32, #tpu.memory_space<hbm>>
        %dma_wait3A_882 = arith.constant 0 : i32
        %dma_wait3A_883 = arith.constant 0 : i32
        %dma_wait3A_884 = tpu.memref_slice %arg6[%dma_wait3A_865, %dma_wait3A_882, %dma_wait3A_883] : memref<2x160x128xf32, #tpu.memory_space<vmem>> -> memref<1x20x64xf32, #tpu.memory_space<vmem>>
        %dma_wait3A_885 = tpu.memref_squeeze %dma_wait3A_884 : memref<1x20x64xf32, #tpu.memory_space<vmem>> -> memref<20x64xf32, #tpu.memory_space<vmem>>
        tpu.wait_dma2 semaphore(%dma_wait3A_877 : memref<!tpu.dma_semaphore, #tpu.memory_space<semaphore_mem>>) src(%dma_wait3A_885 : memref<20x64xf32, #tpu.memory_space<vmem>>) dst(%dma_wait3A_881 : memref<20x64xf32, #tpu.memory_space<hbm>>)
        %dma_wait3A_886 = arith.constant 0 : i32
        %dma_wait3A_887 = arith.constant 0 : i32
        %dma_wait3A_888 = arith.constant 0 : i32
        %dma_wait3A_889 = arith.constant 0 : i32
        %dma_wait3A_890 = arith.constant 0 : i32
        %dma_wait3A_891 = tpu.memref_slice %arg6[%dma_wait3A_886, %dma_wait3A_889, %dma_wait3A_890] : memref<2x160x128xf32, #tpu.memory_space<vmem>> -> memref<1x20x64xf32, #tpu.memory_space<vmem>>
        %dma_wait3A_892 = tpu.memref_squeeze %dma_wait3A_891 : memref<1x20x64xf32, #tpu.memory_space<vmem>> -> memref<20x64xf32, #tpu.memory_space<vmem>>
        %dma_wait3A_893 = arith.constant 0 : i32
        %dma_wait3A_894 = arith.constant 0 : i32
        %dma_wait3A_895 = tpu.memref_slice %arg4[%dma_wait3A_887, %dma_wait3A_893, %dma_wait3A_894] : memref<16384x20x64xf32, #tpu.memory_space<hbm>> -> memref<1x20x64xf32, #tpu.memory_space<hbm>>
        %dma_wait3A_896 = tpu.memref_squeeze %dma_wait3A_895 : memref<1x20x64xf32, #tpu.memory_space<hbm>> -> memref<20x64xf32, #tpu.memory_space<hbm>>
        %dma_wait3A_897 = tpu.memref_slice %arg8[%dma_wait3A_888] : memref<2x!tpu.dma_semaphore, #tpu.memory_space<semaphore_mem>> -> memref<1x!tpu.dma_semaphore, #tpu.memory_space<semaphore_mem>>
        %dma_wait3A_898 = tpu.memref_squeeze %dma_wait3A_897 : memref<1x!tpu.dma_semaphore, #tpu.memory_space<semaphore_mem>> -> memref<!tpu.dma_semaphore, #tpu.memory_space<semaphore_mem>>
        %dma_wait3A_899 = arith.constant 0 : i32
        %dma_wait3A_900 = arith.constant 0 : i32
        %dma_wait3A_901 = tpu.memref_slice %arg4[%dma_wait3A_887, %dma_wait3A_899, %dma_wait3A_900] : memref<16384x20x64xf32, #tpu.memory_space<hbm>> -> memref<1x20x64xf32, #tpu.memory_space<hbm>>
        %dma_wait3A_902 = tpu.memref_squeeze %dma_wait3A_901 : memref<1x20x64xf32, #tpu.memory_space<hbm>> -> memref<20x64xf32, #tpu.memory_space<hbm>>
        %dma_wait3A_903 = arith.constant 0 : i32
        %dma_wait3A_904 = arith.constant 0 : i32
        %dma_wait3A_905 = tpu.memref_slice %arg6[%dma_wait3A_886, %dma_wait3A_903, %dma_wait3A_904] : memref<2x160x128xf32, #tpu.memory_space<vmem>> -> memref<1x20x64xf32, #tpu.memory_space<vmem>>
        %dma_wait3A_906 = tpu.memref_squeeze %dma_wait3A_905 : memref<1x20x64xf32, #tpu.memory_space<vmem>> -> memref<20x64xf32, #tpu.memory_space<vmem>>
        tpu.wait_dma2 semaphore(%dma_wait3A_898 : memref<!tpu.dma_semaphore, #tpu.memory_space<semaphore_mem>>) src(%dma_wait3A_906 : memref<20x64xf32, #tpu.memory_space<vmem>>) dst(%dma_wait3A_902 : memref<20x64xf32, #tpu.memory_space<hbm>>)
        %dma_wait3A_907 = arith.constant 0 : i32
        %dma_wait3A_908 = arith.constant 0 : i32
        %dma_wait3A_909 = arith.constant 0 : i32
        %dma_wait3A_910 = arith.constant 0 : i32
        %dma_wait3A_911 = arith.constant 0 : i32
        %dma_wait3A_912 = tpu.memref_slice %arg6[%dma_wait3A_907, %dma_wait3A_910, %dma_wait3A_911] : memref<2x160x128xf32, #tpu.memory_space<vmem>> -> memref<1x20x64xf32, #tpu.memory_space<vmem>>
        %dma_wait3A_913 = tpu.memref_squeeze %dma_wait3A_912 : memref<1x20x64xf32, #tpu.memory_space<vmem>> -> memref<20x64xf32, #tpu.memory_space<vmem>>
        %dma_wait3A_914 = arith.constant 0 : i32
        %dma_wait3A_915 = arith.constant 0 : i32
        %dma_wait3A_916 = tpu.memref_slice %arg4[%dma_wait3A_908, %dma_wait3A_914, %dma_wait3A_915] : memref<16384x20x64xf32, #tpu.memory_space<hbm>> -> memref<1x20x64xf32, #tpu.memory_space<hbm>>
        %dma_wait3A_917 = tpu.memref_squeeze %dma_wait3A_916 : memref<1x20x64xf32, #tpu.memory_space<hbm>> -> memref<20x64xf32, #tpu.memory_space<hbm>>
        %dma_wait3A_918 = tpu.memref_slice %arg8[%dma_wait3A_909] : memref<2x!tpu.dma_semaphore, #tpu.memory_space<semaphore_mem>> -> memref<1x!tpu.dma_semaphore, #tpu.memory_space<semaphore_mem>>
        %dma_wait3A_919 = tpu.memref_squeeze %dma_wait3A_918 : memref<1x!tpu.dma_semaphore, #tpu.memory_space<semaphore_mem>> -> memref<!tpu.dma_semaphore, #tpu.memory_space<semaphore_mem>>
        %dma_wait3A_920 = arith.constant 0 : i32
        %dma_wait3A_921 = arith.constant 0 : i32
        %dma_wait3A_922 = tpu.memref_slice %arg4[%dma_wait3A_908, %dma_wait3A_920, %dma_wait3A_921] : memref<16384x20x64xf32, #tpu.memory_space<hbm>> -> memref<1x20x64xf32, #tpu.memory_space<hbm>>
        %dma_wait3A_923 = tpu.memref_squeeze %dma_wait3A_922 : memref<1x20x64xf32, #tpu.memory_space<hbm>> -> memref<20x64xf32, #tpu.memory_space<hbm>>
        %dma_wait3A_924 = arith.constant 0 : i32
        %dma_wait3A_925 = arith.constant 0 : i32
        %dma_wait3A_926 = tpu.memref_slice %arg6[%dma_wait3A_907, %dma_wait3A_924, %dma_wait3A_925] : memref<2x160x128xf32, #tpu.memory_space<vmem>> -> memref<1x20x64xf32, #tpu.memory_space<vmem>>
        %dma_wait3A_927 = tpu.memref_squeeze %dma_wait3A_926 : memref<1x20x64xf32, #tpu.memory_space<vmem>> -> memref<20x64xf32, #tpu.memory_space<vmem>>
        tpu.wait_dma2 semaphore(%dma_wait3A_919 : memref<!tpu.dma_semaphore, #tpu.memory_space<semaphore_mem>>) src(%dma_wait3A_927 : memref<20x64xf32, #tpu.memory_space<vmem>>) dst(%dma_wait3A_923 : memref<20x64xf32, #tpu.memory_space<hbm>>)
        %dma_wait3A_928 = arith.constant 0 : i32
        %dma_wait3A_929 = arith.constant 0 : i32
        %dma_wait3A_930 = arith.constant 0 : i32
        %dma_wait3A_931 = arith.constant 0 : i32
        %dma_wait3A_932 = arith.constant 0 : i32
        %dma_wait3A_933 = tpu.memref_slice %arg6[%dma_wait3A_928, %dma_wait3A_931, %dma_wait3A_932] : memref<2x160x128xf32, #tpu.memory_space<vmem>> -> memref<1x20x64xf32, #tpu.memory_space<vmem>>
        %dma_wait3A_934 = tpu.memref_squeeze %dma_wait3A_933 : memref<1x20x64xf32, #tpu.memory_space<vmem>> -> memref<20x64xf32, #tpu.memory_space<vmem>>
        %dma_wait3A_935 = arith.constant 0 : i32
        %dma_wait3A_936 = arith.constant 0 : i32
        %dma_wait3A_937 = tpu.memref_slice %arg4[%dma_wait3A_929, %dma_wait3A_935, %dma_wait3A_936] : memref<16384x20x64xf32, #tpu.memory_space<hbm>> -> memref<1x20x64xf32, #tpu.memory_space<hbm>>
        %dma_wait3A_938 = tpu.memref_squeeze %dma_wait3A_937 : memref<1x20x64xf32, #tpu.memory_space<hbm>> -> memref<20x64xf32, #tpu.memory_space<hbm>>
        %dma_wait3A_939 = tpu.memref_slice %arg8[%dma_wait3A_930] : memref<2x!tpu.dma_semaphore, #tpu.memory_space<semaphore_mem>> -> memref<1x!tpu.dma_semaphore, #tpu.memory_space<semaphore_mem>>
        %dma_wait3A_940 = tpu.memref_squeeze %dma_wait3A_939 : memref<1x!tpu.dma_semaphore, #tpu.memory_space<semaphore_mem>> -> memref<!tpu.dma_semaphore, #tpu.memory_space<semaphore_mem>>
        %dma_wait3A_941 = arith.constant 0 : i32
        %dma_wait3A_942 = arith.constant 0 : i32
        %dma_wait3A_943 = tpu.memref_slice %arg4[%dma_wait3A_929, %dma_wait3A_941, %dma_wait3A_942] : memref<16384x20x64xf32, #tpu.memory_space<hbm>> -> memref<1x20x64xf32, #tpu.memory_space<hbm>>
        %dma_wait3A_944 = tpu.memref_squeeze %dma_wait3A_943 : memref<1x20x64xf32, #tpu.memory_space<hbm>> -> memref<20x64xf32, #tpu.memory_space<hbm>>
        %dma_wait3A_945 = arith.constant 0 : i32
        %dma_wait3A_946 = arith.constant 0 : i32
        %dma_wait3A_947 = tpu.memref_slice %arg6[%dma_wait3A_928, %dma_wait3A_945, %dma_wait3A_946] : memref<2x160x128xf32, #tpu.memory_space<vmem>> -> memref<1x20x64xf32, #tpu.memory_space<vmem>>
        %dma_wait3A_948 = tpu.memref_squeeze %dma_wait3A_947 : memref<1x20x64xf32, #tpu.memory_space<vmem>> -> memref<20x64xf32, #tpu.memory_space<vmem>>
        tpu.wait_dma2 semaphore(%dma_wait3A_940 : memref<!tpu.dma_semaphore, #tpu.memory_space<semaphore_mem>>) src(%dma_wait3A_948 : memref<20x64xf32, #tpu.memory_space<vmem>>) dst(%dma_wait3A_944 : memref<20x64xf32, #tpu.memory_space<hbm>>)
        %dma_wait3A_949 = arith.constant 0 : i32
        %dma_wait3A_950 = arith.constant 0 : i32
        %dma_wait3A_951 = arith.constant 0 : i32
        %dma_wait3A_952 = arith.constant 0 : i32
        %dma_wait3A_953 = arith.constant 0 : i32
        %dma_wait3A_954 = tpu.memref_slice %arg6[%dma_wait3A_949, %dma_wait3A_952, %dma_wait3A_953] : memref<2x160x128xf32, #tpu.memory_space<vmem>> -> memref<1x20x64xf32, #tpu.memory_space<vmem>>
        %dma_wait3A_955 = tpu.memref_squeeze %dma_wait3A_954 : memref<1x20x64xf32, #tpu.memory_space<vmem>> -> memref<20x64xf32, #tpu.memory_space<vmem>>
        %dma_wait3A_956 = arith.constant 0 : i32
        %dma_wait3A_957 = arith.constant 0 : i32
        %dma_wait3A_958 = tpu.memref_slice %arg4[%dma_wait3A_950, %dma_wait3A_956, %dma_wait3A_957] : memref<16384x20x64xf32, #tpu.memory_space<hbm>> -> memref<1x20x64xf32, #tpu.memory_space<hbm>>
        %dma_wait3A_959 = tpu.memref_squeeze %dma_wait3A_958 : memref<1x20x64xf32, #tpu.memory_space<hbm>> -> memref<20x64xf32, #tpu.memory_space<hbm>>
        %dma_wait3A_960 = tpu.memref_slice %arg8[%dma_wait3A_951] : memref<2x!tpu.dma_semaphore, #tpu.memory_space<semaphore_mem>> -> memref<1x!tpu.dma_semaphore, #tpu.memory_space<semaphore_mem>>
        %dma_wait3A_961 = tpu.memref_squeeze %dma_wait3A_960 : memref<1x!tpu.dma_semaphore, #tpu.memory_space<semaphore_mem>> -> memref<!tpu.dma_semaphore, #tpu.memory_space<semaphore_mem>>
        %dma_wait3A_962 = arith.constant 0 : i32
        %dma_wait3A_963 = arith.constant 0 : i32
        %dma_wait3A_964 = tpu.memref_slice %arg4[%dma_wait3A_950, %dma_wait3A_962, %dma_wait3A_963] : memref<16384x20x64xf32, #tpu.memory_space<hbm>> -> memref<1x20x64xf32, #tpu.memory_space<hbm>>
        %dma_wait3A_965 = tpu.memref_squeeze %dma_wait3A_964 : memref<1x20x64xf32, #tpu.memory_space<hbm>> -> memref<20x64xf32, #tpu.memory_space<hbm>>
        %dma_wait3A_966 = arith.constant 0 : i32
        %dma_wait3A_967 = arith.constant 0 : i32
        %dma_wait3A_968 = tpu.memref_slice %arg6[%dma_wait3A_949, %dma_wait3A_966, %dma_wait3A_967] : memref<2x160x128xf32, #tpu.memory_space<vmem>> -> memref<1x20x64xf32, #tpu.memory_space<vmem>>
        %dma_wait3A_969 = tpu.memref_squeeze %dma_wait3A_968 : memref<1x20x64xf32, #tpu.memory_space<vmem>> -> memref<20x64xf32, #tpu.memory_space<vmem>>
        tpu.wait_dma2 semaphore(%dma_wait3A_961 : memref<!tpu.dma_semaphore, #tpu.memory_space<semaphore_mem>>) src(%dma_wait3A_969 : memref<20x64xf32, #tpu.memory_space<vmem>>) dst(%dma_wait3A_965 : memref<20x64xf32, #tpu.memory_space<hbm>>)
        %dma_wait3A_970 = arith.constant 0 : i32
        %dma_wait3A_971 = arith.constant 0 : i32
        %dma_wait3A_972 = arith.constant 0 : i32
        %dma_wait3A_973 = arith.constant 0 : i32
        %dma_wait3A_974 = arith.constant 0 : i32
        %dma_wait3A_975 = tpu.memref_slice %arg6[%dma_wait3A_970, %dma_wait3A_973, %dma_wait3A_974] : memref<2x160x128xf32, #tpu.memory_space<vmem>> -> memref<1x20x64xf32, #tpu.memory_space<vmem>>
        %dma_wait3A_976 = tpu.memref_squeeze %dma_wait3A_975 : memref<1x20x64xf32, #tpu.memory_space<vmem>> -> memref<20x64xf32, #tpu.memory_space<vmem>>
        %dma_wait3A_977 = arith.constant 0 : i32
        %dma_wait3A_978 = arith.constant 0 : i32
        %dma_wait3A_979 = tpu.memref_slice %arg4[%dma_wait3A_971, %dma_wait3A_977, %dma_wait3A_978] : memref<16384x20x64xf32, #tpu.memory_space<hbm>> -> memref<1x20x64xf32, #tpu.memory_space<hbm>>
        %dma_wait3A_980 = tpu.memref_squeeze %dma_wait3A_979 : memref<1x20x64xf32, #tpu.memory_space<hbm>> -> memref<20x64xf32, #tpu.memory_space<hbm>>
        %dma_wait3A_981 = tpu.memref_slice %arg8[%dma_wait3A_972] : memref<2x!tpu.dma_semaphore, #tpu.memory_space<semaphore_mem>> -> memref<1x!tpu.dma_semaphore, #tpu.memory_space<semaphore_mem>>
        %dma_wait3A_982 = tpu.memref_squeeze %dma_wait3A_981 : memref<1x!tpu.dma_semaphore, #tpu.memory_space<semaphore_mem>> -> memref<!tpu.dma_semaphore, #tpu.memory_space<semaphore_mem>>
        %dma_wait3A_983 = arith.constant 0 : i32
        %dma_wait3A_984 = arith.constant 0 : i32
        %dma_wait3A_985 = tpu.memref_slice %arg4[%dma_wait3A_971, %dma_wait3A_983, %dma_wait3A_984] : memref<16384x20x64xf32, #tpu.memory_space<hbm>> -> memref<1x20x64xf32, #tpu.memory_space<hbm>>
        %dma_wait3A_986 = tpu.memref_squeeze %dma_wait3A_985 : memref<1x20x64xf32, #tpu.memory_space<hbm>> -> memref<20x64xf32, #tpu.memory_space<hbm>>
        %dma_wait3A_987 = arith.constant 0 : i32
        %dma_wait3A_988 = arith.constant 0 : i32
        %dma_wait3A_989 = tpu.memref_slice %arg6[%dma_wait3A_970, %dma_wait3A_987, %dma_wait3A_988] : memref<2x160x128xf32, #tpu.memory_space<vmem>> -> memref<1x20x64xf32, #tpu.memory_space<vmem>>
        %dma_wait3A_990 = tpu.memref_squeeze %dma_wait3A_989 : memref<1x20x64xf32, #tpu.memory_space<vmem>> -> memref<20x64xf32, #tpu.memory_space<vmem>>
        tpu.wait_dma2 semaphore(%dma_wait3A_982 : memref<!tpu.dma_semaphore, #tpu.memory_space<semaphore_mem>>) src(%dma_wait3A_990 : memref<20x64xf32, #tpu.memory_space<vmem>>) dst(%dma_wait3A_986 : memref<20x64xf32, #tpu.memory_space<hbm>>)
        %dma_wait3A_991 = arith.constant 0 : i32
        %dma_wait3A_992 = arith.constant 0 : i32
        %dma_wait3A_993 = arith.constant 0 : i32
        %dma_wait3A_994 = arith.constant 0 : i32
        %dma_wait3A_995 = arith.constant 0 : i32
        %dma_wait3A_996 = tpu.memref_slice %arg6[%dma_wait3A_991, %dma_wait3A_994, %dma_wait3A_995] : memref<2x160x128xf32, #tpu.memory_space<vmem>> -> memref<1x20x64xf32, #tpu.memory_space<vmem>>
        %dma_wait3A_997 = tpu.memref_squeeze %dma_wait3A_996 : memref<1x20x64xf32, #tpu.memory_space<vmem>> -> memref<20x64xf32, #tpu.memory_space<vmem>>
        %dma_wait3A_998 = arith.constant 0 : i32
        %dma_wait3A_999 = arith.constant 0 : i32
        %dma_wait3A_1000 = tpu.memref_slice %arg4[%dma_wait3A_992, %dma_wait3A_998, %dma_wait3A_999] : memref<16384x20x64xf32, #tpu.memory_space<hbm>> -> memref<1x20x64xf32, #tpu.memory_space<hbm>>
        %dma_wait3A_1001 = tpu.memref_squeeze %dma_wait3A_1000 : memref<1x20x64xf32, #tpu.memory_space<hbm>> -> memref<20x64xf32, #tpu.memory_space<hbm>>
        %dma_wait3A_1002 = tpu.memref_slice %arg8[%dma_wait3A_993] : memref<2x!tpu.dma_semaphore, #tpu.memory_space<semaphore_mem>> -> memref<1x!tpu.dma_semaphore, #tpu.memory_space<semaphore_mem>>
        %dma_wait3A_1003 = tpu.memref_squeeze %dma_wait3A_1002 : memref<1x!tpu.dma_semaphore, #tpu.memory_space<semaphore_mem>> -> memref<!tpu.dma_semaphore, #tpu.memory_space<semaphore_mem>>
        %dma_wait3A_1004 = arith.constant 0 : i32
        %dma_wait3A_1005 = arith.constant 0 : i32
        %dma_wait3A_1006 = tpu.memref_slice %arg4[%dma_wait3A_992, %dma_wait3A_1004, %dma_wait3A_1005] : memref<16384x20x64xf32, #tpu.memory_space<hbm>> -> memref<1x20x64xf32, #tpu.memory_space<hbm>>
        %dma_wait3A_1007 = tpu.memref_squeeze %dma_wait3A_1006 : memref<1x20x64xf32, #tpu.memory_space<hbm>> -> memref<20x64xf32, #tpu.memory_space<hbm>>
        %dma_wait3A_1008 = arith.constant 0 : i32
        %dma_wait3A_1009 = arith.constant 0 : i32
        %dma_wait3A_1010 = tpu.memref_slice %arg6[%dma_wait3A_991, %dma_wait3A_1008, %dma_wait3A_1009] : memref<2x160x128xf32, #tpu.memory_space<vmem>> -> memref<1x20x64xf32, #tpu.memory_space<vmem>>
        %dma_wait3A_1011 = tpu.memref_squeeze %dma_wait3A_1010 : memref<1x20x64xf32, #tpu.memory_space<vmem>> -> memref<20x64xf32, #tpu.memory_space<vmem>>
        tpu.wait_dma2 semaphore(%dma_wait3A_1003 : memref<!tpu.dma_semaphore, #tpu.memory_space<semaphore_mem>>) src(%dma_wait3A_1011 : memref<20x64xf32, #tpu.memory_space<vmem>>) dst(%dma_wait3A_1007 : memref<20x64xf32, #tpu.memory_space<hbm>>)
        %dma_wait3A_1012 = arith.constant 0 : i32
        %dma_wait3A_1013 = arith.constant 0 : i32
        %dma_wait3A_1014 = arith.constant 0 : i32
        %dma_wait3A_1015 = arith.constant 0 : i32
        %dma_wait3A_1016 = arith.constant 0 : i32
        %dma_wait3A_1017 = tpu.memref_slice %arg6[%dma_wait3A_1012, %dma_wait3A_1015, %dma_wait3A_1016] : memref<2x160x128xf32, #tpu.memory_space<vmem>> -> memref<1x20x64xf32, #tpu.memory_space<vmem>>
        %dma_wait3A_1018 = tpu.memref_squeeze %dma_wait3A_1017 : memref<1x20x64xf32, #tpu.memory_space<vmem>> -> memref<20x64xf32, #tpu.memory_space<vmem>>
        %dma_wait3A_1019 = arith.constant 0 : i32
        %dma_wait3A_1020 = arith.constant 0 : i32
        %dma_wait3A_1021 = tpu.memref_slice %arg4[%dma_wait3A_1013, %dma_wait3A_1019, %dma_wait3A_1020] : memref<16384x20x64xf32, #tpu.memory_space<hbm>> -> memref<1x20x64xf32, #tpu.memory_space<hbm>>
        %dma_wait3A_1022 = tpu.memref_squeeze %dma_wait3A_1021 : memref<1x20x64xf32, #tpu.memory_space<hbm>> -> memref<20x64xf32, #tpu.memory_space<hbm>>
        %dma_wait3A_1023 = tpu.memref_slice %arg8[%dma_wait3A_1014] : memref<2x!tpu.dma_semaphore, #tpu.memory_space<semaphore_mem>> -> memref<1x!tpu.dma_semaphore, #tpu.memory_space<semaphore_mem>>
        %dma_wait3A_1024 = tpu.memref_squeeze %dma_wait3A_1023 : memref<1x!tpu.dma_semaphore, #tpu.memory_space<semaphore_mem>> -> memref<!tpu.dma_semaphore, #tpu.memory_space<semaphore_mem>>
        %dma_wait3A_1025 = arith.constant 0 : i32
        %dma_wait3A_1026 = arith.constant 0 : i32
        %dma_wait3A_1027 = tpu.memref_slice %arg4[%dma_wait3A_1013, %dma_wait3A_1025, %dma_wait3A_1026] : memref<16384x20x64xf32, #tpu.memory_space<hbm>> -> memref<1x20x64xf32, #tpu.memory_space<hbm>>
        %dma_wait3A_1028 = tpu.memref_squeeze %dma_wait3A_1027 : memref<1x20x64xf32, #tpu.memory_space<hbm>> -> memref<20x64xf32, #tpu.memory_space<hbm>>
        %dma_wait3A_1029 = arith.constant 0 : i32
        %dma_wait3A_1030 = arith.constant 0 : i32
        %dma_wait3A_1031 = tpu.memref_slice %arg6[%dma_wait3A_1012, %dma_wait3A_1029, %dma_wait3A_1030] : memref<2x160x128xf32, #tpu.memory_space<vmem>> -> memref<1x20x64xf32, #tpu.memory_space<vmem>>
        %dma_wait3A_1032 = tpu.memref_squeeze %dma_wait3A_1031 : memref<1x20x64xf32, #tpu.memory_space<vmem>> -> memref<20x64xf32, #tpu.memory_space<vmem>>
        tpu.wait_dma2 semaphore(%dma_wait3A_1024 : memref<!tpu.dma_semaphore, #tpu.memory_space<semaphore_mem>>) src(%dma_wait3A_1032 : memref<20x64xf32, #tpu.memory_space<vmem>>) dst(%dma_wait3A_1028 : memref<20x64xf32, #tpu.memory_space<hbm>>)
      } else {
      }
      %mul3A_399 = arith.constant 512 : i32
      %mul3A_400 = arith.muli %add3A, %mul3A_399 : i32
      %mul3A_401 = arith.constant 8 : i32
      %mul3A_402 = arith.muli %add3A_372, %mul3A_401 : i32
      %add3A_403 = arith.addi %mul3A_400, %mul3A_402 : i32
      %add3A_404 = arith.constant 0 : i32
      %add3A_405 = arith.addi %add3A_403, %add3A_404 : i32
      %dma_start3A_406 = arith.constant 0 : i32
      %dma_start3A_407 = arith.constant 0 : i32
      %dma_start3A_408 = arith.constant 0 : i32
      %dma_start3A_409 = arith.constant 0 : i32
      %dma_start3A_410 = tpu.memref_slice %arg6[%dma_start3A_406, %dma_start3A_408, %dma_start3A_409] : memref<2x160x128xf32, #tpu.memory_space<vmem>> -> memref<1x20x64xf32, #tpu.memory_space<vmem>>
      %dma_start3A_411 = tpu.memref_squeeze %dma_start3A_410 : memref<1x20x64xf32, #tpu.memory_space<vmem>> -> memref<20x64xf32, #tpu.memory_space<vmem>>
      %dma_start3A_412 = arith.constant 0 : i32
      %dma_start3A_413 = arith.constant 0 : i32
      %dma_start3A_414 = tpu.memref_slice %arg4[%add3A_405, %dma_start3A_412, %dma_start3A_413] : memref<16384x20x64xf32, #tpu.memory_space<hbm>> -> memref<1x20x64xf32, #tpu.memory_space<hbm>>
      %dma_start3A_415 = tpu.memref_squeeze %dma_start3A_414 : memref<1x20x64xf32, #tpu.memory_space<hbm>> -> memref<20x64xf32, #tpu.memory_space<hbm>>
      %dma_start3A_416 = tpu.memref_slice %arg8[%dma_start3A_407] : memref<2x!tpu.dma_semaphore, #tpu.memory_space<semaphore_mem>> -> memref<1x!tpu.dma_semaphore, #tpu.memory_space<semaphore_mem>>
      %dma_start3A_417 = tpu.memref_squeeze %dma_start3A_416 : memref<1x!tpu.dma_semaphore, #tpu.memory_space<semaphore_mem>> -> memref<!tpu.dma_semaphore, #tpu.memory_space<semaphore_mem>>
      %dma_start3A_418 = arith.constant 0 : i32
      %dma_start3A_419 = arith.constant 0 : i32
      %dma_start3A_420 = tpu.memref_slice %arg4[%add3A_405, %dma_start3A_418, %dma_start3A_419] : memref<16384x20x64xf32, #tpu.memory_space<hbm>> -> memref<1x20x64xf32, #tpu.memory_space<hbm>>
      %dma_start3A_421 = tpu.memref_squeeze %dma_start3A_420 : memref<1x20x64xf32, #tpu.memory_space<hbm>> -> memref<20x64xf32, #tpu.memory_space<hbm>>
      %dma_start3A_422 = arith.constant 0 : i32
      %dma_start3A_423 = arith.constant 0 : i32
      %dma_start3A_424 = tpu.memref_slice %arg6[%dma_start3A_406, %dma_start3A_422, %dma_start3A_423] : memref<2x160x128xf32, #tpu.memory_space<vmem>> -> memref<1x20x64xf32, #tpu.memory_space<vmem>>
      %dma_start3A_425 = tpu.memref_squeeze %dma_start3A_424 : memref<1x20x64xf32, #tpu.memory_space<vmem>> -> memref<20x64xf32, #tpu.memory_space<vmem>>
      tpu.enqueue_dma source(%dma_start3A_425 : memref<20x64xf32, #tpu.memory_space<vmem>>) target(%dma_start3A_421 : memref<20x64xf32, #tpu.memory_space<hbm>>) target_semaphore(%dma_start3A_417 : memref<!tpu.dma_semaphore, #tpu.memory_space<semaphore_mem>>)
      %mul3A_426 = arith.constant 512 : i32
      %mul3A_427 = arith.muli %add3A, %mul3A_426 : i32
      %mul3A_428 = arith.constant 8 : i32
      %mul3A_429 = arith.muli %add3A_372, %mul3A_428 : i32
      %add3A_430 = arith.addi %mul3A_427, %mul3A_429 : i32
      %add3A_431 = arith.constant 1 : i32
      %add3A_432 = arith.addi %add3A_430, %add3A_431 : i32
      %dma_start3A_433 = arith.constant 0 : i32
      %dma_start3A_434 = arith.constant 0 : i32
      %dma_start3A_435 = arith.constant 20 : i32
      %dma_start3A_436 = arith.constant 0 : i32
      %dma_start3A_437 = tpu.memref_slice %arg6[%dma_start3A_433, %dma_start3A_435, %dma_start3A_436] : memref<2x160x128xf32, #tpu.memory_space<vmem>> -> memref<1x20x64xf32, #tpu.memory_space<vmem>>
      %dma_start3A_438 = tpu.memref_squeeze %dma_start3A_437 : memref<1x20x64xf32, #tpu.memory_space<vmem>> -> memref<20x64xf32, #tpu.memory_space<vmem>>
      %dma_start3A_439 = arith.constant 0 : i32
      %dma_start3A_440 = arith.constant 0 : i32
      %dma_start3A_441 = tpu.memref_slice %arg4[%add3A_432, %dma_start3A_439, %dma_start3A_440] : memref<16384x20x64xf32, #tpu.memory_space<hbm>> -> memref<1x20x64xf32, #tpu.memory_space<hbm>>
      %dma_start3A_442 = tpu.memref_squeeze %dma_start3A_441 : memref<1x20x64xf32, #tpu.memory_space<hbm>> -> memref<20x64xf32, #tpu.memory_space<hbm>>
      %dma_start3A_443 = tpu.memref_slice %arg8[%dma_start3A_434] : memref<2x!tpu.dma_semaphore, #tpu.memory_space<semaphore_mem>> -> memref<1x!tpu.dma_semaphore, #tpu.memory_space<semaphore_mem>>
      %dma_start3A_444 = tpu.memref_squeeze %dma_start3A_443 : memref<1x!tpu.dma_semaphore, #tpu.memory_space<semaphore_mem>> -> memref<!tpu.dma_semaphore, #tpu.memory_space<semaphore_mem>>
      %dma_start3A_445 = arith.constant 0 : i32
      %dma_start3A_446 = arith.constant 0 : i32
      %dma_start3A_447 = tpu.memref_slice %arg4[%add3A_432, %dma_start3A_445, %dma_start3A_446] : memref<16384x20x64xf32, #tpu.memory_space<hbm>> -> memref<1x20x64xf32, #tpu.memory_space<hbm>>
      %dma_start3A_448 = tpu.memref_squeeze %dma_start3A_447 : memref<1x20x64xf32, #tpu.memory_space<hbm>> -> memref<20x64xf32, #tpu.memory_space<hbm>>
      %dma_start3A_449 = arith.constant 20 : i32
      %dma_start3A_450 = arith.constant 0 : i32
      %dma_start3A_451 = tpu.memref_slice %arg6[%dma_start3A_433, %dma_start3A_449, %dma_start3A_450] : memref<2x160x128xf32, #tpu.memory_space<vmem>> -> memref<1x20x64xf32, #tpu.memory_space<vmem>>
      %dma_start3A_452 = tpu.memref_squeeze %dma_start3A_451 : memref<1x20x64xf32, #tpu.memory_space<vmem>> -> memref<20x64xf32, #tpu.memory_space<vmem>>
      tpu.enqueue_dma source(%dma_start3A_452 : memref<20x64xf32, #tpu.memory_space<vmem>>) target(%dma_start3A_448 : memref<20x64xf32, #tpu.memory_space<hbm>>) target_semaphore(%dma_start3A_444 : memref<!tpu.dma_semaphore, #tpu.memory_space<semaphore_mem>>)
      %mul3A_453 = arith.constant 512 : i32
      %mul3A_454 = arith.muli %add3A, %mul3A_453 : i32
      %mul3A_455 = arith.constant 8 : i32
      %mul3A_456 = arith.muli %add3A_372, %mul3A_455 : i32
      %add3A_457 = arith.addi %mul3A_454, %mul3A_456 : i32
      %add3A_458 = arith.constant 2 : i32
      %add3A_459 = arith.addi %add3A_457, %add3A_458 : i32
      %dma_start3A_460 = arith.constant 0 : i32
      %dma_start3A_461 = arith.constant 0 : i32
      %dma_start3A_462 = arith.constant 40 : i32
      %dma_start3A_463 = arith.constant 0 : i32
      %dma_start3A_464 = tpu.memref_slice %arg6[%dma_start3A_460, %dma_start3A_462, %dma_start3A_463] : memref<2x160x128xf32, #tpu.memory_space<vmem>> -> memref<1x20x64xf32, #tpu.memory_space<vmem>>
      %dma_start3A_465 = tpu.memref_squeeze %dma_start3A_464 : memref<1x20x64xf32, #tpu.memory_space<vmem>> -> memref<20x64xf32, #tpu.memory_space<vmem>>
      %dma_start3A_466 = arith.constant 0 : i32
      %dma_start3A_467 = arith.constant 0 : i32
      %dma_start3A_468 = tpu.memref_slice %arg4[%add3A_459, %dma_start3A_466, %dma_start3A_467] : memref<16384x20x64xf32, #tpu.memory_space<hbm>> -> memref<1x20x64xf32, #tpu.memory_space<hbm>>
      %dma_start3A_469 = tpu.memref_squeeze %dma_start3A_468 : memref<1x20x64xf32, #tpu.memory_space<hbm>> -> memref<20x64xf32, #tpu.memory_space<hbm>>
      %dma_start3A_470 = tpu.memref_slice %arg8[%dma_start3A_461] : memref<2x!tpu.dma_semaphore, #tpu.memory_space<semaphore_mem>> -> memref<1x!tpu.dma_semaphore, #tpu.memory_space<semaphore_mem>>
      %dma_start3A_471 = tpu.memref_squeeze %dma_start3A_470 : memref<1x!tpu.dma_semaphore, #tpu.memory_space<semaphore_mem>> -> memref<!tpu.dma_semaphore, #tpu.memory_space<semaphore_mem>>
      %dma_start3A_472 = arith.constant 0 : i32
      %dma_start3A_473 = arith.constant 0 : i32
      %dma_start3A_474 = tpu.memref_slice %arg4[%add3A_459, %dma_start3A_472, %dma_start3A_473] : memref<16384x20x64xf32, #tpu.memory_space<hbm>> -> memref<1x20x64xf32, #tpu.memory_space<hbm>>
      %dma_start3A_475 = tpu.memref_squeeze %dma_start3A_474 : memref<1x20x64xf32, #tpu.memory_space<hbm>> -> memref<20x64xf32, #tpu.memory_space<hbm>>
      %dma_start3A_476 = arith.constant 40 : i32
      %dma_start3A_477 = arith.constant 0 : i32
      %dma_start3A_478 = tpu.memref_slice %arg6[%dma_start3A_460, %dma_start3A_476, %dma_start3A_477] : memref<2x160x128xf32, #tpu.memory_space<vmem>> -> memref<1x20x64xf32, #tpu.memory_space<vmem>>
      %dma_start3A_479 = tpu.memref_squeeze %dma_start3A_478 : memref<1x20x64xf32, #tpu.memory_space<vmem>> -> memref<20x64xf32, #tpu.memory_space<vmem>>
      tpu.enqueue_dma source(%dma_start3A_479 : memref<20x64xf32, #tpu.memory_space<vmem>>) target(%dma_start3A_475 : memref<20x64xf32, #tpu.memory_space<hbm>>) target_semaphore(%dma_start3A_471 : memref<!tpu.dma_semaphore, #tpu.memory_space<semaphore_mem>>)
      %mul3A_480 = arith.constant 512 : i32
      %mul3A_481 = arith.muli %add3A, %mul3A_480 : i32
      %mul3A_482 = arith.constant 8 : i32
      %mul3A_483 = arith.muli %add3A_372, %mul3A_482 : i32
      %add3A_484 = arith.addi %mul3A_481, %mul3A_483 : i32
      %add3A_485 = arith.constant 3 : i32
      %add3A_486 = arith.addi %add3A_484, %add3A_485 : i32
      %dma_start3A_487 = arith.constant 0 : i32
      %dma_start3A_488 = arith.constant 0 : i32
      %dma_start3A_489 = arith.constant 60 : i32
      %dma_start3A_490 = arith.constant 0 : i32
      %dma_start3A_491 = tpu.memref_slice %arg6[%dma_start3A_487, %dma_start3A_489, %dma_start3A_490] : memref<2x160x128xf32, #tpu.memory_space<vmem>> -> memref<1x20x64xf32, #tpu.memory_space<vmem>>
      %dma_start3A_492 = tpu.memref_squeeze %dma_start3A_491 : memref<1x20x64xf32, #tpu.memory_space<vmem>> -> memref<20x64xf32, #tpu.memory_space<vmem>>
      %dma_start3A_493 = arith.constant 0 : i32
      %dma_start3A_494 = arith.constant 0 : i32
      %dma_start3A_495 = tpu.memref_slice %arg4[%add3A_486, %dma_start3A_493, %dma_start3A_494] : memref<16384x20x64xf32, #tpu.memory_space<hbm>> -> memref<1x20x64xf32, #tpu.memory_space<hbm>>
      %dma_start3A_496 = tpu.memref_squeeze %dma_start3A_495 : memref<1x20x64xf32, #tpu.memory_space<hbm>> -> memref<20x64xf32, #tpu.memory_space<hbm>>
      %dma_start3A_497 = tpu.memref_slice %arg8[%dma_start3A_488] : memref<2x!tpu.dma_semaphore, #tpu.memory_space<semaphore_mem>> -> memref<1x!tpu.dma_semaphore, #tpu.memory_space<semaphore_mem>>
      %dma_start3A_498 = tpu.memref_squeeze %dma_start3A_497 : memref<1x!tpu.dma_semaphore, #tpu.memory_space<semaphore_mem>> -> memref<!tpu.dma_semaphore, #tpu.memory_space<semaphore_mem>>
      %dma_start3A_499 = arith.constant 0 : i32
      %dma_start3A_500 = arith.constant 0 : i32
      %dma_start3A_501 = tpu.memref_slice %arg4[%add3A_486, %dma_start3A_499, %dma_start3A_500] : memref<16384x20x64xf32, #tpu.memory_space<hbm>> -> memref<1x20x64xf32, #tpu.memory_space<hbm>>
      %dma_start3A_502 = tpu.memref_squeeze %dma_start3A_501 : memref<1x20x64xf32, #tpu.memory_space<hbm>> -> memref<20x64xf32, #tpu.memory_space<hbm>>
      %dma_start3A_503 = arith.constant 60 : i32
      %dma_start3A_504 = arith.constant 0 : i32
      %dma_start3A_505 = tpu.memref_slice %arg6[%dma_start3A_487, %dma_start3A_503, %dma_start3A_504] : memref<2x160x128xf32, #tpu.memory_space<vmem>> -> memref<1x20x64xf32, #tpu.memory_space<vmem>>
      %dma_start3A_506 = tpu.memref_squeeze %dma_start3A_505 : memref<1x20x64xf32, #tpu.memory_space<vmem>> -> memref<20x64xf32, #tpu.memory_space<vmem>>
      tpu.enqueue_dma source(%dma_start3A_506 : memref<20x64xf32, #tpu.memory_space<vmem>>) target(%dma_start3A_502 : memref<20x64xf32, #tpu.memory_space<hbm>>) target_semaphore(%dma_start3A_498 : memref<!tpu.dma_semaphore, #tpu.memory_space<semaphore_mem>>)
      %mul3A_507 = arith.constant 512 : i32
      %mul3A_508 = arith.muli %add3A, %mul3A_507 : i32
      %mul3A_509 = arith.constant 8 : i32
      %mul3A_510 = arith.muli %add3A_372, %mul3A_509 : i32
      %add3A_511 = arith.addi %mul3A_508, %mul3A_510 : i32
      %add3A_512 = arith.constant 4 : i32
      %add3A_513 = arith.addi %add3A_511, %add3A_512 : i32
      %dma_start3A_514 = arith.constant 0 : i32
      %dma_start3A_515 = arith.constant 0 : i32
      %dma_start3A_516 = arith.constant 80 : i32
      %dma_start3A_517 = arith.constant 0 : i32
      %dma_start3A_518 = tpu.memref_slice %arg6[%dma_start3A_514, %dma_start3A_516, %dma_start3A_517] : memref<2x160x128xf32, #tpu.memory_space<vmem>> -> memref<1x20x64xf32, #tpu.memory_space<vmem>>
      %dma_start3A_519 = tpu.memref_squeeze %dma_start3A_518 : memref<1x20x64xf32, #tpu.memory_space<vmem>> -> memref<20x64xf32, #tpu.memory_space<vmem>>
      %dma_start3A_520 = arith.constant 0 : i32
      %dma_start3A_521 = arith.constant 0 : i32
      %dma_start3A_522 = tpu.memref_slice %arg4[%add3A_513, %dma_start3A_520, %dma_start3A_521] : memref<16384x20x64xf32, #tpu.memory_space<hbm>> -> memref<1x20x64xf32, #tpu.memory_space<hbm>>
      %dma_start3A_523 = tpu.memref_squeeze %dma_start3A_522 : memref<1x20x64xf32, #tpu.memory_space<hbm>> -> memref<20x64xf32, #tpu.memory_space<hbm>>
      %dma_start3A_524 = tpu.memref_slice %arg8[%dma_start3A_515] : memref<2x!tpu.dma_semaphore, #tpu.memory_space<semaphore_mem>> -> memref<1x!tpu.dma_semaphore, #tpu.memory_space<semaphore_mem>>
      %dma_start3A_525 = tpu.memref_squeeze %dma_start3A_524 : memref<1x!tpu.dma_semaphore, #tpu.memory_space<semaphore_mem>> -> memref<!tpu.dma_semaphore, #tpu.memory_space<semaphore_mem>>
      %dma_start3A_526 = arith.constant 0 : i32
      %dma_start3A_527 = arith.constant 0 : i32
      %dma_start3A_528 = tpu.memref_slice %arg4[%add3A_513, %dma_start3A_526, %dma_start3A_527] : memref<16384x20x64xf32, #tpu.memory_space<hbm>> -> memref<1x20x64xf32, #tpu.memory_space<hbm>>
      %dma_start3A_529 = tpu.memref_squeeze %dma_start3A_528 : memref<1x20x64xf32, #tpu.memory_space<hbm>> -> memref<20x64xf32, #tpu.memory_space<hbm>>
      %dma_start3A_530 = arith.constant 80 : i32
      %dma_start3A_531 = arith.constant 0 : i32
      %dma_start3A_532 = tpu.memref_slice %arg6[%dma_start3A_514, %dma_start3A_530, %dma_start3A_531] : memref<2x160x128xf32, #tpu.memory_space<vmem>> -> memref<1x20x64xf32, #tpu.memory_space<vmem>>
      %dma_start3A_533 = tpu.memref_squeeze %dma_start3A_532 : memref<1x20x64xf32, #tpu.memory_space<vmem>> -> memref<20x64xf32, #tpu.memory_space<vmem>>
      tpu.enqueue_dma source(%dma_start3A_533 : memref<20x64xf32, #tpu.memory_space<vmem>>) target(%dma_start3A_529 : memref<20x64xf32, #tpu.memory_space<hbm>>) target_semaphore(%dma_start3A_525 : memref<!tpu.dma_semaphore, #tpu.memory_space<semaphore_mem>>)
      %mul3A_534 = arith.constant 512 : i32
      %mul3A_535 = arith.muli %add3A, %mul3A_534 : i32
      %mul3A_536 = arith.constant 8 : i32
      %mul3A_537 = arith.muli %add3A_372, %mul3A_536 : i32
      %add3A_538 = arith.addi %mul3A_535, %mul3A_537 : i32
      %add3A_539 = arith.constant 5 : i32
      %add3A_540 = arith.addi %add3A_538, %add3A_539 : i32
      %dma_start3A_541 = arith.constant 0 : i32
      %dma_start3A_542 = arith.constant 0 : i32
      %dma_start3A_543 = arith.constant 100 : i32
      %dma_start3A_544 = arith.constant 0 : i32
      %dma_start3A_545 = tpu.memref_slice %arg6[%dma_start3A_541, %dma_start3A_543, %dma_start3A_544] : memref<2x160x128xf32, #tpu.memory_space<vmem>> -> memref<1x20x64xf32, #tpu.memory_space<vmem>>
      %dma_start3A_546 = tpu.memref_squeeze %dma_start3A_545 : memref<1x20x64xf32, #tpu.memory_space<vmem>> -> memref<20x64xf32, #tpu.memory_space<vmem>>
      %dma_start3A_547 = arith.constant 0 : i32
      %dma_start3A_548 = arith.constant 0 : i32
      %dma_start3A_549 = tpu.memref_slice %arg4[%add3A_540, %dma_start3A_547, %dma_start3A_548] : memref<16384x20x64xf32, #tpu.memory_space<hbm>> -> memref<1x20x64xf32, #tpu.memory_space<hbm>>
      %dma_start3A_550 = tpu.memref_squeeze %dma_start3A_549 : memref<1x20x64xf32, #tpu.memory_space<hbm>> -> memref<20x64xf32, #tpu.memory_space<hbm>>
      %dma_start3A_551 = tpu.memref_slice %arg8[%dma_start3A_542] : memref<2x!tpu.dma_semaphore, #tpu.memory_space<semaphore_mem>> -> memref<1x!tpu.dma_semaphore, #tpu.memory_space<semaphore_mem>>
      %dma_start3A_552 = tpu.memref_squeeze %dma_start3A_551 : memref<1x!tpu.dma_semaphore, #tpu.memory_space<semaphore_mem>> -> memref<!tpu.dma_semaphore, #tpu.memory_space<semaphore_mem>>
      %dma_start3A_553 = arith.constant 0 : i32
      %dma_start3A_554 = arith.constant 0 : i32
      %dma_start3A_555 = tpu.memref_slice %arg4[%add3A_540, %dma_start3A_553, %dma_start3A_554] : memref<16384x20x64xf32, #tpu.memory_space<hbm>> -> memref<1x20x64xf32, #tpu.memory_space<hbm>>
      %dma_start3A_556 = tpu.memref_squeeze %dma_start3A_555 : memref<1x20x64xf32, #tpu.memory_space<hbm>> -> memref<20x64xf32, #tpu.memory_space<hbm>>
      %dma_start3A_557 = arith.constant 100 : i32
      %dma_start3A_558 = arith.constant 0 : i32
      %dma_start3A_559 = tpu.memref_slice %arg6[%dma_start3A_541, %dma_start3A_557, %dma_start3A_558] : memref<2x160x128xf32, #tpu.memory_space<vmem>> -> memref<1x20x64xf32, #tpu.memory_space<vmem>>
      %dma_start3A_560 = tpu.memref_squeeze %dma_start3A_559 : memref<1x20x64xf32, #tpu.memory_space<vmem>> -> memref<20x64xf32, #tpu.memory_space<vmem>>
      tpu.enqueue_dma source(%dma_start3A_560 : memref<20x64xf32, #tpu.memory_space<vmem>>) target(%dma_start3A_556 : memref<20x64xf32, #tpu.memory_space<hbm>>) target_semaphore(%dma_start3A_552 : memref<!tpu.dma_semaphore, #tpu.memory_space<semaphore_mem>>)
      %mul3A_561 = arith.constant 512 : i32
      %mul3A_562 = arith.muli %add3A, %mul3A_561 : i32
      %mul3A_563 = arith.constant 8 : i32
      %mul3A_564 = arith.muli %add3A_372, %mul3A_563 : i32
      %add3A_565 = arith.addi %mul3A_562, %mul3A_564 : i32
      %add3A_566 = arith.constant 6 : i32
      %add3A_567 = arith.addi %add3A_565, %add3A_566 : i32
      %dma_start3A_568 = arith.constant 0 : i32
      %dma_start3A_569 = arith.constant 0 : i32
      %dma_start3A_570 = arith.constant 120 : i32
      %dma_start3A_571 = arith.constant 0 : i32
      %dma_start3A_572 = tpu.memref_slice %arg6[%dma_start3A_568, %dma_start3A_570, %dma_start3A_571] : memref<2x160x128xf32, #tpu.memory_space<vmem>> -> memref<1x20x64xf32, #tpu.memory_space<vmem>>
      %dma_start3A_573 = tpu.memref_squeeze %dma_start3A_572 : memref<1x20x64xf32, #tpu.memory_space<vmem>> -> memref<20x64xf32, #tpu.memory_space<vmem>>
      %dma_start3A_574 = arith.constant 0 : i32
      %dma_start3A_575 = arith.constant 0 : i32
      %dma_start3A_576 = tpu.memref_slice %arg4[%add3A_567, %dma_start3A_574, %dma_start3A_575] : memref<16384x20x64xf32, #tpu.memory_space<hbm>> -> memref<1x20x64xf32, #tpu.memory_space<hbm>>
      %dma_start3A_577 = tpu.memref_squeeze %dma_start3A_576 : memref<1x20x64xf32, #tpu.memory_space<hbm>> -> memref<20x64xf32, #tpu.memory_space<hbm>>
      %dma_start3A_578 = tpu.memref_slice %arg8[%dma_start3A_569] : memref<2x!tpu.dma_semaphore, #tpu.memory_space<semaphore_mem>> -> memref<1x!tpu.dma_semaphore, #tpu.memory_space<semaphore_mem>>
      %dma_start3A_579 = tpu.memref_squeeze %dma_start3A_578 : memref<1x!tpu.dma_semaphore, #tpu.memory_space<semaphore_mem>> -> memref<!tpu.dma_semaphore, #tpu.memory_space<semaphore_mem>>
      %dma_start3A_580 = arith.constant 0 : i32
      %dma_start3A_581 = arith.constant 0 : i32
      %dma_start3A_582 = tpu.memref_slice %arg4[%add3A_567, %dma_start3A_580, %dma_start3A_581] : memref<16384x20x64xf32, #tpu.memory_space<hbm>> -> memref<1x20x64xf32, #tpu.memory_space<hbm>>
      %dma_start3A_583 = tpu.memref_squeeze %dma_start3A_582 : memref<1x20x64xf32, #tpu.memory_space<hbm>> -> memref<20x64xf32, #tpu.memory_space<hbm>>
      %dma_start3A_584 = arith.constant 120 : i32
      %dma_start3A_585 = arith.constant 0 : i32
      %dma_start3A_586 = tpu.memref_slice %arg6[%dma_start3A_568, %dma_start3A_584, %dma_start3A_585] : memref<2x160x128xf32, #tpu.memory_space<vmem>> -> memref<1x20x64xf32, #tpu.memory_space<vmem>>
      %dma_start3A_587 = tpu.memref_squeeze %dma_start3A_586 : memref<1x20x64xf32, #tpu.memory_space<vmem>> -> memref<20x64xf32, #tpu.memory_space<vmem>>
      tpu.enqueue_dma source(%dma_start3A_587 : memref<20x64xf32, #tpu.memory_space<vmem>>) target(%dma_start3A_583 : memref<20x64xf32, #tpu.memory_space<hbm>>) target_semaphore(%dma_start3A_579 : memref<!tpu.dma_semaphore, #tpu.memory_space<semaphore_mem>>)
      %mul3A_588 = arith.constant 512 : i32
      %mul3A_589 = arith.muli %add3A, %mul3A_588 : i32
      %mul3A_590 = arith.constant 8 : i32
      %mul3A_591 = arith.muli %add3A_372, %mul3A_590 : i32
      %add3A_592 = arith.addi %mul3A_589, %mul3A_591 : i32
      %add3A_593 = arith.constant 7 : i32
      %add3A_594 = arith.addi %add3A_592, %add3A_593 : i32
      %dma_start3A_595 = arith.constant 0 : i32
      %dma_start3A_596 = arith.constant 0 : i32
      %dma_start3A_597 = arith.constant 140 : i32
      %dma_start3A_598 = arith.constant 0 : i32
      %dma_start3A_599 = tpu.memref_slice %arg6[%dma_start3A_595, %dma_start3A_597, %dma_start3A_598] : memref<2x160x128xf32, #tpu.memory_space<vmem>> -> memref<1x20x64xf32, #tpu.memory_space<vmem>>
      %dma_start3A_600 = tpu.memref_squeeze %dma_start3A_599 : memref<1x20x64xf32, #tpu.memory_space<vmem>> -> memref<20x64xf32, #tpu.memory_space<vmem>>
      %dma_start3A_601 = arith.constant 0 : i32
      %dma_start3A_602 = arith.constant 0 : i32
      %dma_start3A_603 = tpu.memref_slice %arg4[%add3A_594, %dma_start3A_601, %dma_start3A_602] : memref<16384x20x64xf32, #tpu.memory_space<hbm>> -> memref<1x20x64xf32, #tpu.memory_space<hbm>>
      %dma_start3A_604 = tpu.memref_squeeze %dma_start3A_603 : memref<1x20x64xf32, #tpu.memory_space<hbm>> -> memref<20x64xf32, #tpu.memory_space<hbm>>
      %dma_start3A_605 = tpu.memref_slice %arg8[%dma_start3A_596] : memref<2x!tpu.dma_semaphore, #tpu.memory_space<semaphore_mem>> -> memref<1x!tpu.dma_semaphore, #tpu.memory_space<semaphore_mem>>
      %dma_start3A_606 = tpu.memref_squeeze %dma_start3A_605 : memref<1x!tpu.dma_semaphore, #tpu.memory_space<semaphore_mem>> -> memref<!tpu.dma_semaphore, #tpu.memory_space<semaphore_mem>>
      %dma_start3A_607 = arith.constant 0 : i32
      %dma_start3A_608 = arith.constant 0 : i32
      %dma_start3A_609 = tpu.memref_slice %arg4[%add3A_594, %dma_start3A_607, %dma_start3A_608] : memref<16384x20x64xf32, #tpu.memory_space<hbm>> -> memref<1x20x64xf32, #tpu.memory_space<hbm>>
      %dma_start3A_610 = tpu.memref_squeeze %dma_start3A_609 : memref<1x20x64xf32, #tpu.memory_space<hbm>> -> memref<20x64xf32, #tpu.memory_space<hbm>>
      %dma_start3A_611 = arith.constant 140 : i32
      %dma_start3A_612 = arith.constant 0 : i32
      %dma_start3A_613 = tpu.memref_slice %arg6[%dma_start3A_595, %dma_start3A_611, %dma_start3A_612] : memref<2x160x128xf32, #tpu.memory_space<vmem>> -> memref<1x20x64xf32, #tpu.memory_space<vmem>>
      %dma_start3A_614 = tpu.memref_squeeze %dma_start3A_613 : memref<1x20x64xf32, #tpu.memory_space<vmem>> -> memref<20x64xf32, #tpu.memory_space<vmem>>
      tpu.enqueue_dma source(%dma_start3A_614 : memref<20x64xf32, #tpu.memory_space<vmem>>) target(%dma_start3A_610 : memref<20x64xf32, #tpu.memory_space<hbm>>) target_semaphore(%dma_start3A_606 : memref<!tpu.dma_semaphore, #tpu.memory_space<semaphore_mem>>)
      %mul3A_615 = arith.constant 2 : i32
      %mul3A_616 = arith.muli %mul3A_615, %scan3A_368 : i32
      %add3A_617 = arith.constant 1 : i32
      %add3A_618 = arith.addi %mul3A_616, %add3A_617 : i32
      %add3A_619 = arith.constant 1 : i32
      %add3A_620 = arith.addi %add3A_618, %add3A_619 : i32
      %lt3A_621 = arith.constant 64 : i32
      %lt3A_622 = arith.cmpi slt, %add3A_620, %lt3A_621 : i32
      %convert_element_type3A_623 = arith.extui %lt3A_622 : i1 to i32
      %cond3A_624 = arith.constant 0 : i32
      %cond3A_625 = arith.cmpi ne, %convert_element_type3A_623, %cond3A_624 : i32
      scf.if %cond3A_625 {
        %add3A_865 = arith.constant 1 : i32
        %add3A_866 = arith.addi %add3A_618, %add3A_865 : i32
        %mul3A_867 = arith.constant 160 : i32
        %mul3A_868 = arith.muli %add3A_866, %mul3A_867 : i32
        %add3A_869 = arith.constant 0 : i32
        %add3A_870 = arith.addi %mul3A_868, %add3A_869 : i32
        %dma_start3A_871 = arith.constant 0 : i32
        %dma_start3A_872 = arith.constant 0 : i32
        %dma_start3A_873 = arith.constant 0 : i32
        %dma_start3A_874 = arith.constant 0 : i32
        %dma_start3A_875 = tpu.memref_slice %arg6[%dma_start3A_871, %dma_start3A_873, %dma_start3A_874] : memref<2x160x128xf32, #tpu.memory_space<vmem>> -> memref<1x80x128xf32, #tpu.memory_space<vmem>>
        %dma_start3A_876 = tpu.memref_squeeze %dma_start3A_875 : memref<1x80x128xf32, #tpu.memory_space<vmem>> -> memref<80x128xf32, #tpu.memory_space<vmem>>
        %dma_start3A_877 = tpu.memref_slice %arg5[%add3A_870] : memref<10240xi32, #tpu.memory_space<vmem>> -> memref<80xi32, #tpu.memory_space<vmem>>
        %dma_start3A_878 = arith.constant 0 : i32
        %dma_start3A_879 = arith.constant 0 : i32
        %dma_start3A_880 = tpu.memref_slice %arg3[%dma_start3A_878, %dma_start3A_879] : memref<1000000x128xf32, #tpu.memory_space<hbm>> -> memref<1000000x128xf32, #tpu.memory_space<hbm>>
        %dma_start3A_881 = tpu.memref_slice %arg7[%dma_start3A_872] : memref<2x!tpu.dma_semaphore, #tpu.memory_space<semaphore_mem>> -> memref<1x!tpu.dma_semaphore, #tpu.memory_space<semaphore_mem>>
        %dma_start3A_882 = tpu.memref_squeeze %dma_start3A_881 : memref<1x!tpu.dma_semaphore, #tpu.memory_space<semaphore_mem>> -> memref<!tpu.dma_semaphore, #tpu.memory_space<semaphore_mem>>
        tpu.enqueue_indirect_dma source(%dma_start3A_880 : memref<1000000x128xf32, #tpu.memory_space<hbm>>) target(%dma_start3A_876 : memref<80x128xf32, #tpu.memory_space<vmem>>) offsets(%dma_start3A_877 : memref<80xi32, #tpu.memory_space<vmem>>) semaphore(%dma_start3A_882 : memref<!tpu.dma_semaphore, #tpu.memory_space<semaphore_mem>>)
        %mul3A_883 = arith.constant 160 : i32
        %mul3A_884 = arith.muli %add3A_866, %mul3A_883 : i32
        %add3A_885 = arith.constant 80 : i32
        %add3A_886 = arith.addi %mul3A_884, %add3A_885 : i32
        %dma_start3A_887 = arith.constant 0 : i32
        %dma_start3A_888 = arith.constant 0 : i32
        %dma_start3A_889 = arith.constant 80 : i32
        %dma_start3A_890 = arith.constant 0 : i32
        %dma_start3A_891 = tpu.memref_slice %arg6[%dma_start3A_887, %dma_start3A_889, %dma_start3A_890] : memref<2x160x128xf32, #tpu.memory_space<vmem>> -> memref<1x80x128xf32, #tpu.memory_space<vmem>>
        %dma_start3A_892 = tpu.memref_squeeze %dma_start3A_891 : memref<1x80x128xf32, #tpu.memory_space<vmem>> -> memref<80x128xf32, #tpu.memory_space<vmem>>
        %dma_start3A_893 = tpu.memref_slice %arg5[%add3A_886] : memref<10240xi32, #tpu.memory_space<vmem>> -> memref<80xi32, #tpu.memory_space<vmem>>
        %dma_start3A_894 = arith.constant 0 : i32
        %dma_start3A_895 = arith.constant 0 : i32
        %dma_start3A_896 = tpu.memref_slice %arg3[%dma_start3A_894, %dma_start3A_895] : memref<1000000x128xf32, #tpu.memory_space<hbm>> -> memref<1000000x128xf32, #tpu.memory_space<hbm>>
        %dma_start3A_897 = tpu.memref_slice %arg7[%dma_start3A_888] : memref<2x!tpu.dma_semaphore, #tpu.memory_space<semaphore_mem>> -> memref<1x!tpu.dma_semaphore, #tpu.memory_space<semaphore_mem>>
        %dma_start3A_898 = tpu.memref_squeeze %dma_start3A_897 : memref<1x!tpu.dma_semaphore, #tpu.memory_space<semaphore_mem>> -> memref<!tpu.dma_semaphore, #tpu.memory_space<semaphore_mem>>
        tpu.enqueue_indirect_dma source(%dma_start3A_896 : memref<1000000x128xf32, #tpu.memory_space<hbm>>) target(%dma_start3A_892 : memref<80x128xf32, #tpu.memory_space<vmem>>) offsets(%dma_start3A_893 : memref<80xi32, #tpu.memory_space<vmem>>) semaphore(%dma_start3A_898 : memref<!tpu.dma_semaphore, #tpu.memory_space<semaphore_mem>>)
      } else {
      }
      %dma_wait3A_626 = arith.constant 1 : i32
      %dma_wait3A_627 = arith.constant 1 : i32
      %dma_wait3A_628 = arith.constant 0 : i32
      %dma_wait3A_629 = arith.constant 0 : i32
      %dma_wait3A_630 = tpu.memref_slice %arg6[%dma_wait3A_626, %dma_wait3A_628, %dma_wait3A_629] : memref<2x160x128xf32, #tpu.memory_space<vmem>> -> memref<1x160x128xf32, #tpu.memory_space<vmem>>
      %dma_wait3A_631 = tpu.memref_squeeze %dma_wait3A_630 : memref<1x160x128xf32, #tpu.memory_space<vmem>> -> memref<160x128xf32, #tpu.memory_space<vmem>>
      %dma_wait3A_632 = arith.constant 0 : i32
      %dma_wait3A_633 = arith.constant 0 : i32
      %dma_wait3A_634 = tpu.memref_slice %arg3[%dma_wait3A_632, %dma_wait3A_633] : memref<1000000x128xf32, #tpu.memory_space<hbm>> -> memref<160x128xf32, #tpu.memory_space<hbm>>
      %dma_wait3A_635 = tpu.memref_slice %arg7[%dma_wait3A_627] : memref<2x!tpu.dma_semaphore, #tpu.memory_space<semaphore_mem>> -> memref<1x!tpu.dma_semaphore, #tpu.memory_space<semaphore_mem>>
      %dma_wait3A_636 = tpu.memref_squeeze %dma_wait3A_635 : memref<1x!tpu.dma_semaphore, #tpu.memory_space<semaphore_mem>> -> memref<!tpu.dma_semaphore, #tpu.memory_space<semaphore_mem>>
      %dma_wait3A_637 = arith.constant 0 : i32
      %dma_wait3A_638 = arith.constant 0 : i32
      %dma_wait3A_639 = tpu.memref_slice %arg6[%dma_wait3A_626, %dma_wait3A_637, %dma_wait3A_638] : memref<2x160x128xf32, #tpu.memory_space<vmem>> -> memref<1x160x128xf32, #tpu.memory_space<vmem>>
      %dma_wait3A_640 = tpu.memref_squeeze %dma_wait3A_639 : memref<1x160x128xf32, #tpu.memory_space<vmem>> -> memref<160x128xf32, #tpu.memory_space<vmem>>
      %dma_wait3A_641 = arith.constant 0 : i32
      %dma_wait3A_642 = arith.constant 0 : i32
      %dma_wait3A_643 = tpu.memref_slice %arg3[%dma_wait3A_641, %dma_wait3A_642] : memref<1000000x128xf32, #tpu.memory_space<hbm>> -> memref<160x128xf32, #tpu.memory_space<hbm>>
      tpu.wait_dma2 semaphore(%dma_wait3A_636 : memref<!tpu.dma_semaphore, #tpu.memory_space<semaphore_mem>>) src(%dma_wait3A_643 : memref<160x128xf32, #tpu.memory_space<hbm>>) dst(%dma_wait3A_640 : memref<160x128xf32, #tpu.memory_space<vmem>>)
      %ge3A_644 = arith.constant 2 : i32
      %ge3A_645 = arith.cmpi sge, %add3A_618, %ge3A_644 : i32
      %convert_element_type3A_646 = arith.extui %ge3A_645 : i1 to i32
      %cond3A_647 = arith.constant 0 : i32
      %cond3A_648 = arith.cmpi ne, %convert_element_type3A_646, %cond3A_647 : i32
      scf.if %cond3A_648 {
        %dma_wait3A_865 = arith.constant 1 : i32
        %dma_wait3A_866 = arith.constant 0 : i32
        %dma_wait3A_867 = arith.constant 1 : i32
        %dma_wait3A_868 = arith.constant 0 : i32
        %dma_wait3A_869 = arith.constant 0 : i32
        %dma_wait3A_870 = tpu.memref_slice %arg6[%dma_wait3A_865, %dma_wait3A_868, %dma_wait3A_869] : memref<2x160x128xf32, #tpu.memory_space<vmem>> -> memref<1x20x64xf32, #tpu.memory_space<vmem>>
        %dma_wait3A_871 = tpu.memref_squeeze %dma_wait3A_870 : memref<1x20x64xf32, #tpu.memory_space<vmem>> -> memref<20x64xf32, #tpu.memory_space<vmem>>
        %dma_wait3A_872 = arith.constant 0 : i32
        %dma_wait3A_873 = arith.constant 0 : i32
        %dma_wait3A_874 = tpu.memref_slice %arg4[%dma_wait3A_866, %dma_wait3A_872, %dma_wait3A_873] : memref<16384x20x64xf32, #tpu.memory_space<hbm>> -> memref<1x20x64xf32, #tpu.memory_space<hbm>>
        %dma_wait3A_875 = tpu.memref_squeeze %dma_wait3A_874 : memref<1x20x64xf32, #tpu.memory_space<hbm>> -> memref<20x64xf32, #tpu.memory_space<hbm>>
        %dma_wait3A_876 = tpu.memref_slice %arg8[%dma_wait3A_867] : memref<2x!tpu.dma_semaphore, #tpu.memory_space<semaphore_mem>> -> memref<1x!tpu.dma_semaphore, #tpu.memory_space<semaphore_mem>>
        %dma_wait3A_877 = tpu.memref_squeeze %dma_wait3A_876 : memref<1x!tpu.dma_semaphore, #tpu.memory_space<semaphore_mem>> -> memref<!tpu.dma_semaphore, #tpu.memory_space<semaphore_mem>>
        %dma_wait3A_878 = arith.constant 0 : i32
        %dma_wait3A_879 = arith.constant 0 : i32
        %dma_wait3A_880 = tpu.memref_slice %arg4[%dma_wait3A_866, %dma_wait3A_878, %dma_wait3A_879] : memref<16384x20x64xf32, #tpu.memory_space<hbm>> -> memref<1x20x64xf32, #tpu.memory_space<hbm>>
        %dma_wait3A_881 = tpu.memref_squeeze %dma_wait3A_880 : memref<1x20x64xf32, #tpu.memory_space<hbm>> -> memref<20x64xf32, #tpu.memory_space<hbm>>
        %dma_wait3A_882 = arith.constant 0 : i32
        %dma_wait3A_883 = arith.constant 0 : i32
        %dma_wait3A_884 = tpu.memref_slice %arg6[%dma_wait3A_865, %dma_wait3A_882, %dma_wait3A_883] : memref<2x160x128xf32, #tpu.memory_space<vmem>> -> memref<1x20x64xf32, #tpu.memory_space<vmem>>
        %dma_wait3A_885 = tpu.memref_squeeze %dma_wait3A_884 : memref<1x20x64xf32, #tpu.memory_space<vmem>> -> memref<20x64xf32, #tpu.memory_space<vmem>>
        tpu.wait_dma2 semaphore(%dma_wait3A_877 : memref<!tpu.dma_semaphore, #tpu.memory_space<semaphore_mem>>) src(%dma_wait3A_885 : memref<20x64xf32, #tpu.memory_space<vmem>>) dst(%dma_wait3A_881 : memref<20x64xf32, #tpu.memory_space<hbm>>)
        %dma_wait3A_886 = arith.constant 1 : i32
        %dma_wait3A_887 = arith.constant 0 : i32
        %dma_wait3A_888 = arith.constant 1 : i32
        %dma_wait3A_889 = arith.constant 0 : i32
        %dma_wait3A_890 = arith.constant 0 : i32
        %dma_wait3A_891 = tpu.memref_slice %arg6[%dma_wait3A_886, %dma_wait3A_889, %dma_wait3A_890] : memref<2x160x128xf32, #tpu.memory_space<vmem>> -> memref<1x20x64xf32, #tpu.memory_space<vmem>>
        %dma_wait3A_892 = tpu.memref_squeeze %dma_wait3A_891 : memref<1x20x64xf32, #tpu.memory_space<vmem>> -> memref<20x64xf32, #tpu.memory_space<vmem>>
        %dma_wait3A_893 = arith.constant 0 : i32
        %dma_wait3A_894 = arith.constant 0 : i32
        %dma_wait3A_895 = tpu.memref_slice %arg4[%dma_wait3A_887, %dma_wait3A_893, %dma_wait3A_894] : memref<16384x20x64xf32, #tpu.memory_space<hbm>> -> memref<1x20x64xf32, #tpu.memory_space<hbm>>
        %dma_wait3A_896 = tpu.memref_squeeze %dma_wait3A_895 : memref<1x20x64xf32, #tpu.memory_space<hbm>> -> memref<20x64xf32, #tpu.memory_space<hbm>>
        %dma_wait3A_897 = tpu.memref_slice %arg8[%dma_wait3A_888] : memref<2x!tpu.dma_semaphore, #tpu.memory_space<semaphore_mem>> -> memref<1x!tpu.dma_semaphore, #tpu.memory_space<semaphore_mem>>
        %dma_wait3A_898 = tpu.memref_squeeze %dma_wait3A_897 : memref<1x!tpu.dma_semaphore, #tpu.memory_space<semaphore_mem>> -> memref<!tpu.dma_semaphore, #tpu.memory_space<semaphore_mem>>
        %dma_wait3A_899 = arith.constant 0 : i32
        %dma_wait3A_900 = arith.constant 0 : i32
        %dma_wait3A_901 = tpu.memref_slice %arg4[%dma_wait3A_887, %dma_wait3A_899, %dma_wait3A_900] : memref<16384x20x64xf32, #tpu.memory_space<hbm>> -> memref<1x20x64xf32, #tpu.memory_space<hbm>>
        %dma_wait3A_902 = tpu.memref_squeeze %dma_wait3A_901 : memref<1x20x64xf32, #tpu.memory_space<hbm>> -> memref<20x64xf32, #tpu.memory_space<hbm>>
        %dma_wait3A_903 = arith.constant 0 : i32
        %dma_wait3A_904 = arith.constant 0 : i32
        %dma_wait3A_905 = tpu.memref_slice %arg6[%dma_wait3A_886, %dma_wait3A_903, %dma_wait3A_904] : memref<2x160x128xf32, #tpu.memory_space<vmem>> -> memref<1x20x64xf32, #tpu.memory_space<vmem>>
        %dma_wait3A_906 = tpu.memref_squeeze %dma_wait3A_905 : memref<1x20x64xf32, #tpu.memory_space<vmem>> -> memref<20x64xf32, #tpu.memory_space<vmem>>
        tpu.wait_dma2 semaphore(%dma_wait3A_898 : memref<!tpu.dma_semaphore, #tpu.memory_space<semaphore_mem>>) src(%dma_wait3A_906 : memref<20x64xf32, #tpu.memory_space<vmem>>) dst(%dma_wait3A_902 : memref<20x64xf32, #tpu.memory_space<hbm>>)
        %dma_wait3A_907 = arith.constant 1 : i32
        %dma_wait3A_908 = arith.constant 0 : i32
        %dma_wait3A_909 = arith.constant 1 : i32
        %dma_wait3A_910 = arith.constant 0 : i32
        %dma_wait3A_911 = arith.constant 0 : i32
        %dma_wait3A_912 = tpu.memref_slice %arg6[%dma_wait3A_907, %dma_wait3A_910, %dma_wait3A_911] : memref<2x160x128xf32, #tpu.memory_space<vmem>> -> memref<1x20x64xf32, #tpu.memory_space<vmem>>
        %dma_wait3A_913 = tpu.memref_squeeze %dma_wait3A_912 : memref<1x20x64xf32, #tpu.memory_space<vmem>> -> memref<20x64xf32, #tpu.memory_space<vmem>>
        %dma_wait3A_914 = arith.constant 0 : i32
        %dma_wait3A_915 = arith.constant 0 : i32
        %dma_wait3A_916 = tpu.memref_slice %arg4[%dma_wait3A_908, %dma_wait3A_914, %dma_wait3A_915] : memref<16384x20x64xf32, #tpu.memory_space<hbm>> -> memref<1x20x64xf32, #tpu.memory_space<hbm>>
        %dma_wait3A_917 = tpu.memref_squeeze %dma_wait3A_916 : memref<1x20x64xf32, #tpu.memory_space<hbm>> -> memref<20x64xf32, #tpu.memory_space<hbm>>
        %dma_wait3A_918 = tpu.memref_slice %arg8[%dma_wait3A_909] : memref<2x!tpu.dma_semaphore, #tpu.memory_space<semaphore_mem>> -> memref<1x!tpu.dma_semaphore, #tpu.memory_space<semaphore_mem>>
        %dma_wait3A_919 = tpu.memref_squeeze %dma_wait3A_918 : memref<1x!tpu.dma_semaphore, #tpu.memory_space<semaphore_mem>> -> memref<!tpu.dma_semaphore, #tpu.memory_space<semaphore_mem>>
        %dma_wait3A_920 = arith.constant 0 : i32
        %dma_wait3A_921 = arith.constant 0 : i32
        %dma_wait3A_922 = tpu.memref_slice %arg4[%dma_wait3A_908, %dma_wait3A_920, %dma_wait3A_921] : memref<16384x20x64xf32, #tpu.memory_space<hbm>> -> memref<1x20x64xf32, #tpu.memory_space<hbm>>
        %dma_wait3A_923 = tpu.memref_squeeze %dma_wait3A_922 : memref<1x20x64xf32, #tpu.memory_space<hbm>> -> memref<20x64xf32, #tpu.memory_space<hbm>>
        %dma_wait3A_924 = arith.constant 0 : i32
        %dma_wait3A_925 = arith.constant 0 : i32
        %dma_wait3A_926 = tpu.memref_slice %arg6[%dma_wait3A_907, %dma_wait3A_924, %dma_wait3A_925] : memref<2x160x128xf32, #tpu.memory_space<vmem>> -> memref<1x20x64xf32, #tpu.memory_space<vmem>>
        %dma_wait3A_927 = tpu.memref_squeeze %dma_wait3A_926 : memref<1x20x64xf32, #tpu.memory_space<vmem>> -> memref<20x64xf32, #tpu.memory_space<vmem>>
        tpu.wait_dma2 semaphore(%dma_wait3A_919 : memref<!tpu.dma_semaphore, #tpu.memory_space<semaphore_mem>>) src(%dma_wait3A_927 : memref<20x64xf32, #tpu.memory_space<vmem>>) dst(%dma_wait3A_923 : memref<20x64xf32, #tpu.memory_space<hbm>>)
        %dma_wait3A_928 = arith.constant 1 : i32
        %dma_wait3A_929 = arith.constant 0 : i32
        %dma_wait3A_930 = arith.constant 1 : i32
        %dma_wait3A_931 = arith.constant 0 : i32
        %dma_wait3A_932 = arith.constant 0 : i32
        %dma_wait3A_933 = tpu.memref_slice %arg6[%dma_wait3A_928, %dma_wait3A_931, %dma_wait3A_932] : memref<2x160x128xf32, #tpu.memory_space<vmem>> -> memref<1x20x64xf32, #tpu.memory_space<vmem>>
        %dma_wait3A_934 = tpu.memref_squeeze %dma_wait3A_933 : memref<1x20x64xf32, #tpu.memory_space<vmem>> -> memref<20x64xf32, #tpu.memory_space<vmem>>
        %dma_wait3A_935 = arith.constant 0 : i32
        %dma_wait3A_936 = arith.constant 0 : i32
        %dma_wait3A_937 = tpu.memref_slice %arg4[%dma_wait3A_929, %dma_wait3A_935, %dma_wait3A_936] : memref<16384x20x64xf32, #tpu.memory_space<hbm>> -> memref<1x20x64xf32, #tpu.memory_space<hbm>>
        %dma_wait3A_938 = tpu.memref_squeeze %dma_wait3A_937 : memref<1x20x64xf32, #tpu.memory_space<hbm>> -> memref<20x64xf32, #tpu.memory_space<hbm>>
        %dma_wait3A_939 = tpu.memref_slice %arg8[%dma_wait3A_930] : memref<2x!tpu.dma_semaphore, #tpu.memory_space<semaphore_mem>> -> memref<1x!tpu.dma_semaphore, #tpu.memory_space<semaphore_mem>>
        %dma_wait3A_940 = tpu.memref_squeeze %dma_wait3A_939 : memref<1x!tpu.dma_semaphore, #tpu.memory_space<semaphore_mem>> -> memref<!tpu.dma_semaphore, #tpu.memory_space<semaphore_mem>>
        %dma_wait3A_941 = arith.constant 0 : i32
        %dma_wait3A_942 = arith.constant 0 : i32
        %dma_wait3A_943 = tpu.memref_slice %arg4[%dma_wait3A_929, %dma_wait3A_941, %dma_wait3A_942] : memref<16384x20x64xf32, #tpu.memory_space<hbm>> -> memref<1x20x64xf32, #tpu.memory_space<hbm>>
        %dma_wait3A_944 = tpu.memref_squeeze %dma_wait3A_943 : memref<1x20x64xf32, #tpu.memory_space<hbm>> -> memref<20x64xf32, #tpu.memory_space<hbm>>
        %dma_wait3A_945 = arith.constant 0 : i32
        %dma_wait3A_946 = arith.constant 0 : i32
        %dma_wait3A_947 = tpu.memref_slice %arg6[%dma_wait3A_928, %dma_wait3A_945, %dma_wait3A_946] : memref<2x160x128xf32, #tpu.memory_space<vmem>> -> memref<1x20x64xf32, #tpu.memory_space<vmem>>
        %dma_wait3A_948 = tpu.memref_squeeze %dma_wait3A_947 : memref<1x20x64xf32, #tpu.memory_space<vmem>> -> memref<20x64xf32, #tpu.memory_space<vmem>>
        tpu.wait_dma2 semaphore(%dma_wait3A_940 : memref<!tpu.dma_semaphore, #tpu.memory_space<semaphore_mem>>) src(%dma_wait3A_948 : memref<20x64xf32, #tpu.memory_space<vmem>>) dst(%dma_wait3A_944 : memref<20x64xf32, #tpu.memory_space<hbm>>)
        %dma_wait3A_949 = arith.constant 1 : i32
        %dma_wait3A_950 = arith.constant 0 : i32
        %dma_wait3A_951 = arith.constant 1 : i32
        %dma_wait3A_952 = arith.constant 0 : i32
        %dma_wait3A_953 = arith.constant 0 : i32
        %dma_wait3A_954 = tpu.memref_slice %arg6[%dma_wait3A_949, %dma_wait3A_952, %dma_wait3A_953] : memref<2x160x128xf32, #tpu.memory_space<vmem>> -> memref<1x20x64xf32, #tpu.memory_space<vmem>>
        %dma_wait3A_955 = tpu.memref_squeeze %dma_wait3A_954 : memref<1x20x64xf32, #tpu.memory_space<vmem>> -> memref<20x64xf32, #tpu.memory_space<vmem>>
        %dma_wait3A_956 = arith.constant 0 : i32
        %dma_wait3A_957 = arith.constant 0 : i32
        %dma_wait3A_958 = tpu.memref_slice %arg4[%dma_wait3A_950, %dma_wait3A_956, %dma_wait3A_957] : memref<16384x20x64xf32, #tpu.memory_space<hbm>> -> memref<1x20x64xf32, #tpu.memory_space<hbm>>
        %dma_wait3A_959 = tpu.memref_squeeze %dma_wait3A_958 : memref<1x20x64xf32, #tpu.memory_space<hbm>> -> memref<20x64xf32, #tpu.memory_space<hbm>>
        %dma_wait3A_960 = tpu.memref_slice %arg8[%dma_wait3A_951] : memref<2x!tpu.dma_semaphore, #tpu.memory_space<semaphore_mem>> -> memref<1x!tpu.dma_semaphore, #tpu.memory_space<semaphore_mem>>
        %dma_wait3A_961 = tpu.memref_squeeze %dma_wait3A_960 : memref<1x!tpu.dma_semaphore, #tpu.memory_space<semaphore_mem>> -> memref<!tpu.dma_semaphore, #tpu.memory_space<semaphore_mem>>
        %dma_wait3A_962 = arith.constant 0 : i32
        %dma_wait3A_963 = arith.constant 0 : i32
        %dma_wait3A_964 = tpu.memref_slice %arg4[%dma_wait3A_950, %dma_wait3A_962, %dma_wait3A_963] : memref<16384x20x64xf32, #tpu.memory_space<hbm>> -> memref<1x20x64xf32, #tpu.memory_space<hbm>>
        %dma_wait3A_965 = tpu.memref_squeeze %dma_wait3A_964 : memref<1x20x64xf32, #tpu.memory_space<hbm>> -> memref<20x64xf32, #tpu.memory_space<hbm>>
        %dma_wait3A_966 = arith.constant 0 : i32
        %dma_wait3A_967 = arith.constant 0 : i32
        %dma_wait3A_968 = tpu.memref_slice %arg6[%dma_wait3A_949, %dma_wait3A_966, %dma_wait3A_967] : memref<2x160x128xf32, #tpu.memory_space<vmem>> -> memref<1x20x64xf32, #tpu.memory_space<vmem>>
        %dma_wait3A_969 = tpu.memref_squeeze %dma_wait3A_968 : memref<1x20x64xf32, #tpu.memory_space<vmem>> -> memref<20x64xf32, #tpu.memory_space<vmem>>
        tpu.wait_dma2 semaphore(%dma_wait3A_961 : memref<!tpu.dma_semaphore, #tpu.memory_space<semaphore_mem>>) src(%dma_wait3A_969 : memref<20x64xf32, #tpu.memory_space<vmem>>) dst(%dma_wait3A_965 : memref<20x64xf32, #tpu.memory_space<hbm>>)
        %dma_wait3A_970 = arith.constant 1 : i32
        %dma_wait3A_971 = arith.constant 0 : i32
        %dma_wait3A_972 = arith.constant 1 : i32
        %dma_wait3A_973 = arith.constant 0 : i32
        %dma_wait3A_974 = arith.constant 0 : i32
        %dma_wait3A_975 = tpu.memref_slice %arg6[%dma_wait3A_970, %dma_wait3A_973, %dma_wait3A_974] : memref<2x160x128xf32, #tpu.memory_space<vmem>> -> memref<1x20x64xf32, #tpu.memory_space<vmem>>
        %dma_wait3A_976 = tpu.memref_squeeze %dma_wait3A_975 : memref<1x20x64xf32, #tpu.memory_space<vmem>> -> memref<20x64xf32, #tpu.memory_space<vmem>>
        %dma_wait3A_977 = arith.constant 0 : i32
        %dma_wait3A_978 = arith.constant 0 : i32
        %dma_wait3A_979 = tpu.memref_slice %arg4[%dma_wait3A_971, %dma_wait3A_977, %dma_wait3A_978] : memref<16384x20x64xf32, #tpu.memory_space<hbm>> -> memref<1x20x64xf32, #tpu.memory_space<hbm>>
        %dma_wait3A_980 = tpu.memref_squeeze %dma_wait3A_979 : memref<1x20x64xf32, #tpu.memory_space<hbm>> -> memref<20x64xf32, #tpu.memory_space<hbm>>
        %dma_wait3A_981 = tpu.memref_slice %arg8[%dma_wait3A_972] : memref<2x!tpu.dma_semaphore, #tpu.memory_space<semaphore_mem>> -> memref<1x!tpu.dma_semaphore, #tpu.memory_space<semaphore_mem>>
        %dma_wait3A_982 = tpu.memref_squeeze %dma_wait3A_981 : memref<1x!tpu.dma_semaphore, #tpu.memory_space<semaphore_mem>> -> memref<!tpu.dma_semaphore, #tpu.memory_space<semaphore_mem>>
        %dma_wait3A_983 = arith.constant 0 : i32
        %dma_wait3A_984 = arith.constant 0 : i32
        %dma_wait3A_985 = tpu.memref_slice %arg4[%dma_wait3A_971, %dma_wait3A_983, %dma_wait3A_984] : memref<16384x20x64xf32, #tpu.memory_space<hbm>> -> memref<1x20x64xf32, #tpu.memory_space<hbm>>
        %dma_wait3A_986 = tpu.memref_squeeze %dma_wait3A_985 : memref<1x20x64xf32, #tpu.memory_space<hbm>> -> memref<20x64xf32, #tpu.memory_space<hbm>>
        %dma_wait3A_987 = arith.constant 0 : i32
        %dma_wait3A_988 = arith.constant 0 : i32
        %dma_wait3A_989 = tpu.memref_slice %arg6[%dma_wait3A_970, %dma_wait3A_987, %dma_wait3A_988] : memref<2x160x128xf32, #tpu.memory_space<vmem>> -> memref<1x20x64xf32, #tpu.memory_space<vmem>>
        %dma_wait3A_990 = tpu.memref_squeeze %dma_wait3A_989 : memref<1x20x64xf32, #tpu.memory_space<vmem>> -> memref<20x64xf32, #tpu.memory_space<vmem>>
        tpu.wait_dma2 semaphore(%dma_wait3A_982 : memref<!tpu.dma_semaphore, #tpu.memory_space<semaphore_mem>>) src(%dma_wait3A_990 : memref<20x64xf32, #tpu.memory_space<vmem>>) dst(%dma_wait3A_986 : memref<20x64xf32, #tpu.memory_space<hbm>>)
        %dma_wait3A_991 = arith.constant 1 : i32
        %dma_wait3A_992 = arith.constant 0 : i32
        %dma_wait3A_993 = arith.constant 1 : i32
        %dma_wait3A_994 = arith.constant 0 : i32
        %dma_wait3A_995 = arith.constant 0 : i32
        %dma_wait3A_996 = tpu.memref_slice %arg6[%dma_wait3A_991, %dma_wait3A_994, %dma_wait3A_995] : memref<2x160x128xf32, #tpu.memory_space<vmem>> -> memref<1x20x64xf32, #tpu.memory_space<vmem>>
        %dma_wait3A_997 = tpu.memref_squeeze %dma_wait3A_996 : memref<1x20x64xf32, #tpu.memory_space<vmem>> -> memref<20x64xf32, #tpu.memory_space<vmem>>
        %dma_wait3A_998 = arith.constant 0 : i32
        %dma_wait3A_999 = arith.constant 0 : i32
        %dma_wait3A_1000 = tpu.memref_slice %arg4[%dma_wait3A_992, %dma_wait3A_998, %dma_wait3A_999] : memref<16384x20x64xf32, #tpu.memory_space<hbm>> -> memref<1x20x64xf32, #tpu.memory_space<hbm>>
        %dma_wait3A_1001 = tpu.memref_squeeze %dma_wait3A_1000 : memref<1x20x64xf32, #tpu.memory_space<hbm>> -> memref<20x64xf32, #tpu.memory_space<hbm>>
        %dma_wait3A_1002 = tpu.memref_slice %arg8[%dma_wait3A_993] : memref<2x!tpu.dma_semaphore, #tpu.memory_space<semaphore_mem>> -> memref<1x!tpu.dma_semaphore, #tpu.memory_space<semaphore_mem>>
        %dma_wait3A_1003 = tpu.memref_squeeze %dma_wait3A_1002 : memref<1x!tpu.dma_semaphore, #tpu.memory_space<semaphore_mem>> -> memref<!tpu.dma_semaphore, #tpu.memory_space<semaphore_mem>>
        %dma_wait3A_1004 = arith.constant 0 : i32
        %dma_wait3A_1005 = arith.constant 0 : i32
        %dma_wait3A_1006 = tpu.memref_slice %arg4[%dma_wait3A_992, %dma_wait3A_1004, %dma_wait3A_1005] : memref<16384x20x64xf32, #tpu.memory_space<hbm>> -> memref<1x20x64xf32, #tpu.memory_space<hbm>>
        %dma_wait3A_1007 = tpu.memref_squeeze %dma_wait3A_1006 : memref<1x20x64xf32, #tpu.memory_space<hbm>> -> memref<20x64xf32, #tpu.memory_space<hbm>>
        %dma_wait3A_1008 = arith.constant 0 : i32
        %dma_wait3A_1009 = arith.constant 0 : i32
        %dma_wait3A_1010 = tpu.memref_slice %arg6[%dma_wait3A_991, %dma_wait3A_1008, %dma_wait3A_1009] : memref<2x160x128xf32, #tpu.memory_space<vmem>> -> memref<1x20x64xf32, #tpu.memory_space<vmem>>
        %dma_wait3A_1011 = tpu.memref_squeeze %dma_wait3A_1010 : memref<1x20x64xf32, #tpu.memory_space<vmem>> -> memref<20x64xf32, #tpu.memory_space<vmem>>
        tpu.wait_dma2 semaphore(%dma_wait3A_1003 : memref<!tpu.dma_semaphore, #tpu.memory_space<semaphore_mem>>) src(%dma_wait3A_1011 : memref<20x64xf32, #tpu.memory_space<vmem>>) dst(%dma_wait3A_1007 : memref<20x64xf32, #tpu.memory_space<hbm>>)
        %dma_wait3A_1012 = arith.constant 1 : i32
        %dma_wait3A_1013 = arith.constant 0 : i32
        %dma_wait3A_1014 = arith.constant 1 : i32
        %dma_wait3A_1015 = arith.constant 0 : i32
        %dma_wait3A_1016 = arith.constant 0 : i32
        %dma_wait3A_1017 = tpu.memref_slice %arg6[%dma_wait3A_1012, %dma_wait3A_1015, %dma_wait3A_1016] : memref<2x160x128xf32, #tpu.memory_space<vmem>> -> memref<1x20x64xf32, #tpu.memory_space<vmem>>
        %dma_wait3A_1018 = tpu.memref_squeeze %dma_wait3A_1017 : memref<1x20x64xf32, #tpu.memory_space<vmem>> -> memref<20x64xf32, #tpu.memory_space<vmem>>
        %dma_wait3A_1019 = arith.constant 0 : i32
        %dma_wait3A_1020 = arith.constant 0 : i32
        %dma_wait3A_1021 = tpu.memref_slice %arg4[%dma_wait3A_1013, %dma_wait3A_1019, %dma_wait3A_1020] : memref<16384x20x64xf32, #tpu.memory_space<hbm>> -> memref<1x20x64xf32, #tpu.memory_space<hbm>>
        %dma_wait3A_1022 = tpu.memref_squeeze %dma_wait3A_1021 : memref<1x20x64xf32, #tpu.memory_space<hbm>> -> memref<20x64xf32, #tpu.memory_space<hbm>>
        %dma_wait3A_1023 = tpu.memref_slice %arg8[%dma_wait3A_1014] : memref<2x!tpu.dma_semaphore, #tpu.memory_space<semaphore_mem>> -> memref<1x!tpu.dma_semaphore, #tpu.memory_space<semaphore_mem>>
        %dma_wait3A_1024 = tpu.memref_squeeze %dma_wait3A_1023 : memref<1x!tpu.dma_semaphore, #tpu.memory_space<semaphore_mem>> -> memref<!tpu.dma_semaphore, #tpu.memory_space<semaphore_mem>>
        %dma_wait3A_1025 = arith.constant 0 : i32
        %dma_wait3A_1026 = arith.constant 0 : i32
        %dma_wait3A_1027 = tpu.memref_slice %arg4[%dma_wait3A_1013, %dma_wait3A_1025, %dma_wait3A_1026] : memref<16384x20x64xf32, #tpu.memory_space<hbm>> -> memref<1x20x64xf32, #tpu.memory_space<hbm>>
        %dma_wait3A_1028 = tpu.memref_squeeze %dma_wait3A_1027 : memref<1x20x64xf32, #tpu.memory_space<hbm>> -> memref<20x64xf32, #tpu.memory_space<hbm>>
        %dma_wait3A_1029 = arith.constant 0 : i32
        %dma_wait3A_1030 = arith.constant 0 : i32
        %dma_wait3A_1031 = tpu.memref_slice %arg6[%dma_wait3A_1012, %dma_wait3A_1029, %dma_wait3A_1030] : memref<2x160x128xf32, #tpu.memory_space<vmem>> -> memref<1x20x64xf32, #tpu.memory_space<vmem>>
        %dma_wait3A_1032 = tpu.memref_squeeze %dma_wait3A_1031 : memref<1x20x64xf32, #tpu.memory_space<vmem>> -> memref<20x64xf32, #tpu.memory_space<vmem>>
        tpu.wait_dma2 semaphore(%dma_wait3A_1024 : memref<!tpu.dma_semaphore, #tpu.memory_space<semaphore_mem>>) src(%dma_wait3A_1032 : memref<20x64xf32, #tpu.memory_space<vmem>>) dst(%dma_wait3A_1028 : memref<20x64xf32, #tpu.memory_space<hbm>>)
      } else {
      }
      %mul3A_649 = arith.constant 512 : i32
      %mul3A_650 = arith.muli %add3A, %mul3A_649 : i32
      %mul3A_651 = arith.constant 8 : i32
      %mul3A_652 = arith.muli %add3A_618, %mul3A_651 : i32
      %add3A_653 = arith.addi %mul3A_650, %mul3A_652 : i32
      %add3A_654 = arith.constant 0 : i32
      %add3A_655 = arith.addi %add3A_653, %add3A_654 : i32
      %dma_start3A_656 = arith.constant 1 : i32
      %dma_start3A_657 = arith.constant 1 : i32
      %dma_start3A_658 = arith.constant 0 : i32
      %dma_start3A_659 = arith.constant 0 : i32
      %dma_start3A_660 = tpu.memref_slice %arg6[%dma_start3A_656, %dma_start3A_658, %dma_start3A_659] : memref<2x160x128xf32, #tpu.memory_space<vmem>> -> memref<1x20x64xf32, #tpu.memory_space<vmem>>
      %dma_start3A_661 = tpu.memref_squeeze %dma_start3A_660 : memref<1x20x64xf32, #tpu.memory_space<vmem>> -> memref<20x64xf32, #tpu.memory_space<vmem>>
      %dma_start3A_662 = arith.constant 0 : i32
      %dma_start3A_663 = arith.constant 0 : i32
      %dma_start3A_664 = tpu.memref_slice %arg4[%add3A_655, %dma_start3A_662, %dma_start3A_663] : memref<16384x20x64xf32, #tpu.memory_space<hbm>> -> memref<1x20x64xf32, #tpu.memory_space<hbm>>
      %dma_start3A_665 = tpu.memref_squeeze %dma_start3A_664 : memref<1x20x64xf32, #tpu.memory_space<hbm>> -> memref<20x64xf32, #tpu.memory_space<hbm>>
      %dma_start3A_666 = tpu.memref_slice %arg8[%dma_start3A_657] : memref<2x!tpu.dma_semaphore, #tpu.memory_space<semaphore_mem>> -> memref<1x!tpu.dma_semaphore, #tpu.memory_space<semaphore_mem>>
      %dma_start3A_667 = tpu.memref_squeeze %dma_start3A_666 : memref<1x!tpu.dma_semaphore, #tpu.memory_space<semaphore_mem>> -> memref<!tpu.dma_semaphore, #tpu.memory_space<semaphore_mem>>
      %dma_start3A_668 = arith.constant 0 : i32
      %dma_start3A_669 = arith.constant 0 : i32
      %dma_start3A_670 = tpu.memref_slice %arg4[%add3A_655, %dma_start3A_668, %dma_start3A_669] : memref<16384x20x64xf32, #tpu.memory_space<hbm>> -> memref<1x20x64xf32, #tpu.memory_space<hbm>>
      %dma_start3A_671 = tpu.memref_squeeze %dma_start3A_670 : memref<1x20x64xf32, #tpu.memory_space<hbm>> -> memref<20x64xf32, #tpu.memory_space<hbm>>
      %dma_start3A_672 = arith.constant 0 : i32
      %dma_start3A_673 = arith.constant 0 : i32
      %dma_start3A_674 = tpu.memref_slice %arg6[%dma_start3A_656, %dma_start3A_672, %dma_start3A_673] : memref<2x160x128xf32, #tpu.memory_space<vmem>> -> memref<1x20x64xf32, #tpu.memory_space<vmem>>
      %dma_start3A_675 = tpu.memref_squeeze %dma_start3A_674 : memref<1x20x64xf32, #tpu.memory_space<vmem>> -> memref<20x64xf32, #tpu.memory_space<vmem>>
      tpu.enqueue_dma source(%dma_start3A_675 : memref<20x64xf32, #tpu.memory_space<vmem>>) target(%dma_start3A_671 : memref<20x64xf32, #tpu.memory_space<hbm>>) target_semaphore(%dma_start3A_667 : memref<!tpu.dma_semaphore, #tpu.memory_space<semaphore_mem>>)
      %mul3A_676 = arith.constant 512 : i32
      %mul3A_677 = arith.muli %add3A, %mul3A_676 : i32
      %mul3A_678 = arith.constant 8 : i32
      %mul3A_679 = arith.muli %add3A_618, %mul3A_678 : i32
      %add3A_680 = arith.addi %mul3A_677, %mul3A_679 : i32
      %add3A_681 = arith.constant 1 : i32
      %add3A_682 = arith.addi %add3A_680, %add3A_681 : i32
      %dma_start3A_683 = arith.constant 1 : i32
      %dma_start3A_684 = arith.constant 1 : i32
      %dma_start3A_685 = arith.constant 20 : i32
      %dma_start3A_686 = arith.constant 0 : i32
      %dma_start3A_687 = tpu.memref_slice %arg6[%dma_start3A_683, %dma_start3A_685, %dma_start3A_686] : memref<2x160x128xf32, #tpu.memory_space<vmem>> -> memref<1x20x64xf32, #tpu.memory_space<vmem>>
      %dma_start3A_688 = tpu.memref_squeeze %dma_start3A_687 : memref<1x20x64xf32, #tpu.memory_space<vmem>> -> memref<20x64xf32, #tpu.memory_space<vmem>>
      %dma_start3A_689 = arith.constant 0 : i32
      %dma_start3A_690 = arith.constant 0 : i32
      %dma_start3A_691 = tpu.memref_slice %arg4[%add3A_682, %dma_start3A_689, %dma_start3A_690] : memref<16384x20x64xf32, #tpu.memory_space<hbm>> -> memref<1x20x64xf32, #tpu.memory_space<hbm>>
      %dma_start3A_692 = tpu.memref_squeeze %dma_start3A_691 : memref<1x20x64xf32, #tpu.memory_space<hbm>> -> memref<20x64xf32, #tpu.memory_space<hbm>>
      %dma_start3A_693 = tpu.memref_slice %arg8[%dma_start3A_684] : memref<2x!tpu.dma_semaphore, #tpu.memory_space<semaphore_mem>> -> memref<1x!tpu.dma_semaphore, #tpu.memory_space<semaphore_mem>>
      %dma_start3A_694 = tpu.memref_squeeze %dma_start3A_693 : memref<1x!tpu.dma_semaphore, #tpu.memory_space<semaphore_mem>> -> memref<!tpu.dma_semaphore, #tpu.memory_space<semaphore_mem>>
      %dma_start3A_695 = arith.constant 0 : i32
      %dma_start3A_696 = arith.constant 0 : i32
      %dma_start3A_697 = tpu.memref_slice %arg4[%add3A_682, %dma_start3A_695, %dma_start3A_696] : memref<16384x20x64xf32, #tpu.memory_space<hbm>> -> memref<1x20x64xf32, #tpu.memory_space<hbm>>
      %dma_start3A_698 = tpu.memref_squeeze %dma_start3A_697 : memref<1x20x64xf32, #tpu.memory_space<hbm>> -> memref<20x64xf32, #tpu.memory_space<hbm>>
      %dma_start3A_699 = arith.constant 20 : i32
      %dma_start3A_700 = arith.constant 0 : i32
      %dma_start3A_701 = tpu.memref_slice %arg6[%dma_start3A_683, %dma_start3A_699, %dma_start3A_700] : memref<2x160x128xf32, #tpu.memory_space<vmem>> -> memref<1x20x64xf32, #tpu.memory_space<vmem>>
      %dma_start3A_702 = tpu.memref_squeeze %dma_start3A_701 : memref<1x20x64xf32, #tpu.memory_space<vmem>> -> memref<20x64xf32, #tpu.memory_space<vmem>>
      tpu.enqueue_dma source(%dma_start3A_702 : memref<20x64xf32, #tpu.memory_space<vmem>>) target(%dma_start3A_698 : memref<20x64xf32, #tpu.memory_space<hbm>>) target_semaphore(%dma_start3A_694 : memref<!tpu.dma_semaphore, #tpu.memory_space<semaphore_mem>>)
      %mul3A_703 = arith.constant 512 : i32
      %mul3A_704 = arith.muli %add3A, %mul3A_703 : i32
      %mul3A_705 = arith.constant 8 : i32
      %mul3A_706 = arith.muli %add3A_618, %mul3A_705 : i32
      %add3A_707 = arith.addi %mul3A_704, %mul3A_706 : i32
      %add3A_708 = arith.constant 2 : i32
      %add3A_709 = arith.addi %add3A_707, %add3A_708 : i32
      %dma_start3A_710 = arith.constant 1 : i32
      %dma_start3A_711 = arith.constant 1 : i32
      %dma_start3A_712 = arith.constant 40 : i32
      %dma_start3A_713 = arith.constant 0 : i32
      %dma_start3A_714 = tpu.memref_slice %arg6[%dma_start3A_710, %dma_start3A_712, %dma_start3A_713] : memref<2x160x128xf32, #tpu.memory_space<vmem>> -> memref<1x20x64xf32, #tpu.memory_space<vmem>>
      %dma_start3A_715 = tpu.memref_squeeze %dma_start3A_714 : memref<1x20x64xf32, #tpu.memory_space<vmem>> -> memref<20x64xf32, #tpu.memory_space<vmem>>
      %dma_start3A_716 = arith.constant 0 : i32
      %dma_start3A_717 = arith.constant 0 : i32
      %dma_start3A_718 = tpu.memref_slice %arg4[%add3A_709, %dma_start3A_716, %dma_start3A_717] : memref<16384x20x64xf32, #tpu.memory_space<hbm>> -> memref<1x20x64xf32, #tpu.memory_space<hbm>>
      %dma_start3A_719 = tpu.memref_squeeze %dma_start3A_718 : memref<1x20x64xf32, #tpu.memory_space<hbm>> -> memref<20x64xf32, #tpu.memory_space<hbm>>
      %dma_start3A_720 = tpu.memref_slice %arg8[%dma_start3A_711] : memref<2x!tpu.dma_semaphore, #tpu.memory_space<semaphore_mem>> -> memref<1x!tpu.dma_semaphore, #tpu.memory_space<semaphore_mem>>
      %dma_start3A_721 = tpu.memref_squeeze %dma_start3A_720 : memref<1x!tpu.dma_semaphore, #tpu.memory_space<semaphore_mem>> -> memref<!tpu.dma_semaphore, #tpu.memory_space<semaphore_mem>>
      %dma_start3A_722 = arith.constant 0 : i32
      %dma_start3A_723 = arith.constant 0 : i32
      %dma_start3A_724 = tpu.memref_slice %arg4[%add3A_709, %dma_start3A_722, %dma_start3A_723] : memref<16384x20x64xf32, #tpu.memory_space<hbm>> -> memref<1x20x64xf32, #tpu.memory_space<hbm>>
      %dma_start3A_725 = tpu.memref_squeeze %dma_start3A_724 : memref<1x20x64xf32, #tpu.memory_space<hbm>> -> memref<20x64xf32, #tpu.memory_space<hbm>>
      %dma_start3A_726 = arith.constant 40 : i32
      %dma_start3A_727 = arith.constant 0 : i32
      %dma_start3A_728 = tpu.memref_slice %arg6[%dma_start3A_710, %dma_start3A_726, %dma_start3A_727] : memref<2x160x128xf32, #tpu.memory_space<vmem>> -> memref<1x20x64xf32, #tpu.memory_space<vmem>>
      %dma_start3A_729 = tpu.memref_squeeze %dma_start3A_728 : memref<1x20x64xf32, #tpu.memory_space<vmem>> -> memref<20x64xf32, #tpu.memory_space<vmem>>
      tpu.enqueue_dma source(%dma_start3A_729 : memref<20x64xf32, #tpu.memory_space<vmem>>) target(%dma_start3A_725 : memref<20x64xf32, #tpu.memory_space<hbm>>) target_semaphore(%dma_start3A_721 : memref<!tpu.dma_semaphore, #tpu.memory_space<semaphore_mem>>)
      %mul3A_730 = arith.constant 512 : i32
      %mul3A_731 = arith.muli %add3A, %mul3A_730 : i32
      %mul3A_732 = arith.constant 8 : i32
      %mul3A_733 = arith.muli %add3A_618, %mul3A_732 : i32
      %add3A_734 = arith.addi %mul3A_731, %mul3A_733 : i32
      %add3A_735 = arith.constant 3 : i32
      %add3A_736 = arith.addi %add3A_734, %add3A_735 : i32
      %dma_start3A_737 = arith.constant 1 : i32
      %dma_start3A_738 = arith.constant 1 : i32
      %dma_start3A_739 = arith.constant 60 : i32
      %dma_start3A_740 = arith.constant 0 : i32
      %dma_start3A_741 = tpu.memref_slice %arg6[%dma_start3A_737, %dma_start3A_739, %dma_start3A_740] : memref<2x160x128xf32, #tpu.memory_space<vmem>> -> memref<1x20x64xf32, #tpu.memory_space<vmem>>
      %dma_start3A_742 = tpu.memref_squeeze %dma_start3A_741 : memref<1x20x64xf32, #tpu.memory_space<vmem>> -> memref<20x64xf32, #tpu.memory_space<vmem>>
      %dma_start3A_743 = arith.constant 0 : i32
      %dma_start3A_744 = arith.constant 0 : i32
      %dma_start3A_745 = tpu.memref_slice %arg4[%add3A_736, %dma_start3A_743, %dma_start3A_744] : memref<16384x20x64xf32, #tpu.memory_space<hbm>> -> memref<1x20x64xf32, #tpu.memory_space<hbm>>
      %dma_start3A_746 = tpu.memref_squeeze %dma_start3A_745 : memref<1x20x64xf32, #tpu.memory_space<hbm>> -> memref<20x64xf32, #tpu.memory_space<hbm>>
      %dma_start3A_747 = tpu.memref_slice %arg8[%dma_start3A_738] : memref<2x!tpu.dma_semaphore, #tpu.memory_space<semaphore_mem>> -> memref<1x!tpu.dma_semaphore, #tpu.memory_space<semaphore_mem>>
      %dma_start3A_748 = tpu.memref_squeeze %dma_start3A_747 : memref<1x!tpu.dma_semaphore, #tpu.memory_space<semaphore_mem>> -> memref<!tpu.dma_semaphore, #tpu.memory_space<semaphore_mem>>
      %dma_start3A_749 = arith.constant 0 : i32
      %dma_start3A_750 = arith.constant 0 : i32
      %dma_start3A_751 = tpu.memref_slice %arg4[%add3A_736, %dma_start3A_749, %dma_start3A_750] : memref<16384x20x64xf32, #tpu.memory_space<hbm>> -> memref<1x20x64xf32, #tpu.memory_space<hbm>>
      %dma_start3A_752 = tpu.memref_squeeze %dma_start3A_751 : memref<1x20x64xf32, #tpu.memory_space<hbm>> -> memref<20x64xf32, #tpu.memory_space<hbm>>
      %dma_start3A_753 = arith.constant 60 : i32
      %dma_start3A_754 = arith.constant 0 : i32
      %dma_start3A_755 = tpu.memref_slice %arg6[%dma_start3A_737, %dma_start3A_753, %dma_start3A_754] : memref<2x160x128xf32, #tpu.memory_space<vmem>> -> memref<1x20x64xf32, #tpu.memory_space<vmem>>
      %dma_start3A_756 = tpu.memref_squeeze %dma_start3A_755 : memref<1x20x64xf32, #tpu.memory_space<vmem>> -> memref<20x64xf32, #tpu.memory_space<vmem>>
      tpu.enqueue_dma source(%dma_start3A_756 : memref<20x64xf32, #tpu.memory_space<vmem>>) target(%dma_start3A_752 : memref<20x64xf32, #tpu.memory_space<hbm>>) target_semaphore(%dma_start3A_748 : memref<!tpu.dma_semaphore, #tpu.memory_space<semaphore_mem>>)
      %mul3A_757 = arith.constant 512 : i32
      %mul3A_758 = arith.muli %add3A, %mul3A_757 : i32
      %mul3A_759 = arith.constant 8 : i32
      %mul3A_760 = arith.muli %add3A_618, %mul3A_759 : i32
      %add3A_761 = arith.addi %mul3A_758, %mul3A_760 : i32
      %add3A_762 = arith.constant 4 : i32
      %add3A_763 = arith.addi %add3A_761, %add3A_762 : i32
      %dma_start3A_764 = arith.constant 1 : i32
      %dma_start3A_765 = arith.constant 1 : i32
      %dma_start3A_766 = arith.constant 80 : i32
      %dma_start3A_767 = arith.constant 0 : i32
      %dma_start3A_768 = tpu.memref_slice %arg6[%dma_start3A_764, %dma_start3A_766, %dma_start3A_767] : memref<2x160x128xf32, #tpu.memory_space<vmem>> -> memref<1x20x64xf32, #tpu.memory_space<vmem>>
      %dma_start3A_769 = tpu.memref_squeeze %dma_start3A_768 : memref<1x20x64xf32, #tpu.memory_space<vmem>> -> memref<20x64xf32, #tpu.memory_space<vmem>>
      %dma_start3A_770 = arith.constant 0 : i32
      %dma_start3A_771 = arith.constant 0 : i32
      %dma_start3A_772 = tpu.memref_slice %arg4[%add3A_763, %dma_start3A_770, %dma_start3A_771] : memref<16384x20x64xf32, #tpu.memory_space<hbm>> -> memref<1x20x64xf32, #tpu.memory_space<hbm>>
      %dma_start3A_773 = tpu.memref_squeeze %dma_start3A_772 : memref<1x20x64xf32, #tpu.memory_space<hbm>> -> memref<20x64xf32, #tpu.memory_space<hbm>>
      %dma_start3A_774 = tpu.memref_slice %arg8[%dma_start3A_765] : memref<2x!tpu.dma_semaphore, #tpu.memory_space<semaphore_mem>> -> memref<1x!tpu.dma_semaphore, #tpu.memory_space<semaphore_mem>>
      %dma_start3A_775 = tpu.memref_squeeze %dma_start3A_774 : memref<1x!tpu.dma_semaphore, #tpu.memory_space<semaphore_mem>> -> memref<!tpu.dma_semaphore, #tpu.memory_space<semaphore_mem>>
      %dma_start3A_776 = arith.constant 0 : i32
      %dma_start3A_777 = arith.constant 0 : i32
      %dma_start3A_778 = tpu.memref_slice %arg4[%add3A_763, %dma_start3A_776, %dma_start3A_777] : memref<16384x20x64xf32, #tpu.memory_space<hbm>> -> memref<1x20x64xf32, #tpu.memory_space<hbm>>
      %dma_start3A_779 = tpu.memref_squeeze %dma_start3A_778 : memref<1x20x64xf32, #tpu.memory_space<hbm>> -> memref<20x64xf32, #tpu.memory_space<hbm>>
      %dma_start3A_780 = arith.constant 80 : i32
      %dma_start3A_781 = arith.constant 0 : i32
      %dma_start3A_782 = tpu.memref_slice %arg6[%dma_start3A_764, %dma_start3A_780, %dma_start3A_781] : memref<2x160x128xf32, #tpu.memory_space<vmem>> -> memref<1x20x64xf32, #tpu.memory_space<vmem>>
      %dma_start3A_783 = tpu.memref_squeeze %dma_start3A_782 : memref<1x20x64xf32, #tpu.memory_space<vmem>> -> memref<20x64xf32, #tpu.memory_space<vmem>>
      tpu.enqueue_dma source(%dma_start3A_783 : memref<20x64xf32, #tpu.memory_space<vmem>>) target(%dma_start3A_779 : memref<20x64xf32, #tpu.memory_space<hbm>>) target_semaphore(%dma_start3A_775 : memref<!tpu.dma_semaphore, #tpu.memory_space<semaphore_mem>>)
      %mul3A_784 = arith.constant 512 : i32
      %mul3A_785 = arith.muli %add3A, %mul3A_784 : i32
      %mul3A_786 = arith.constant 8 : i32
      %mul3A_787 = arith.muli %add3A_618, %mul3A_786 : i32
      %add3A_788 = arith.addi %mul3A_785, %mul3A_787 : i32
      %add3A_789 = arith.constant 5 : i32
      %add3A_790 = arith.addi %add3A_788, %add3A_789 : i32
      %dma_start3A_791 = arith.constant 1 : i32
      %dma_start3A_792 = arith.constant 1 : i32
      %dma_start3A_793 = arith.constant 100 : i32
      %dma_start3A_794 = arith.constant 0 : i32
      %dma_start3A_795 = tpu.memref_slice %arg6[%dma_start3A_791, %dma_start3A_793, %dma_start3A_794] : memref<2x160x128xf32, #tpu.memory_space<vmem>> -> memref<1x20x64xf32, #tpu.memory_space<vmem>>
      %dma_start3A_796 = tpu.memref_squeeze %dma_start3A_795 : memref<1x20x64xf32, #tpu.memory_space<vmem>> -> memref<20x64xf32, #tpu.memory_space<vmem>>
      %dma_start3A_797 = arith.constant 0 : i32
      %dma_start3A_798 = arith.constant 0 : i32
      %dma_start3A_799 = tpu.memref_slice %arg4[%add3A_790, %dma_start3A_797, %dma_start3A_798] : memref<16384x20x64xf32, #tpu.memory_space<hbm>> -> memref<1x20x64xf32, #tpu.memory_space<hbm>>
      %dma_start3A_800 = tpu.memref_squeeze %dma_start3A_799 : memref<1x20x64xf32, #tpu.memory_space<hbm>> -> memref<20x64xf32, #tpu.memory_space<hbm>>
      %dma_start3A_801 = tpu.memref_slice %arg8[%dma_start3A_792] : memref<2x!tpu.dma_semaphore, #tpu.memory_space<semaphore_mem>> -> memref<1x!tpu.dma_semaphore, #tpu.memory_space<semaphore_mem>>
      %dma_start3A_802 = tpu.memref_squeeze %dma_start3A_801 : memref<1x!tpu.dma_semaphore, #tpu.memory_space<semaphore_mem>> -> memref<!tpu.dma_semaphore, #tpu.memory_space<semaphore_mem>>
      %dma_start3A_803 = arith.constant 0 : i32
      %dma_start3A_804 = arith.constant 0 : i32
      %dma_start3A_805 = tpu.memref_slice %arg4[%add3A_790, %dma_start3A_803, %dma_start3A_804] : memref<16384x20x64xf32, #tpu.memory_space<hbm>> -> memref<1x20x64xf32, #tpu.memory_space<hbm>>
      %dma_start3A_806 = tpu.memref_squeeze %dma_start3A_805 : memref<1x20x64xf32, #tpu.memory_space<hbm>> -> memref<20x64xf32, #tpu.memory_space<hbm>>
      %dma_start3A_807 = arith.constant 100 : i32
      %dma_start3A_808 = arith.constant 0 : i32
      %dma_start3A_809 = tpu.memref_slice %arg6[%dma_start3A_791, %dma_start3A_807, %dma_start3A_808] : memref<2x160x128xf32, #tpu.memory_space<vmem>> -> memref<1x20x64xf32, #tpu.memory_space<vmem>>
      %dma_start3A_810 = tpu.memref_squeeze %dma_start3A_809 : memref<1x20x64xf32, #tpu.memory_space<vmem>> -> memref<20x64xf32, #tpu.memory_space<vmem>>
      tpu.enqueue_dma source(%dma_start3A_810 : memref<20x64xf32, #tpu.memory_space<vmem>>) target(%dma_start3A_806 : memref<20x64xf32, #tpu.memory_space<hbm>>) target_semaphore(%dma_start3A_802 : memref<!tpu.dma_semaphore, #tpu.memory_space<semaphore_mem>>)
      %mul3A_811 = arith.constant 512 : i32
      %mul3A_812 = arith.muli %add3A, %mul3A_811 : i32
      %mul3A_813 = arith.constant 8 : i32
      %mul3A_814 = arith.muli %add3A_618, %mul3A_813 : i32
      %add3A_815 = arith.addi %mul3A_812, %mul3A_814 : i32
      %add3A_816 = arith.constant 6 : i32
      %add3A_817 = arith.addi %add3A_815, %add3A_816 : i32
      %dma_start3A_818 = arith.constant 1 : i32
      %dma_start3A_819 = arith.constant 1 : i32
      %dma_start3A_820 = arith.constant 120 : i32
      %dma_start3A_821 = arith.constant 0 : i32
      %dma_start3A_822 = tpu.memref_slice %arg6[%dma_start3A_818, %dma_start3A_820, %dma_start3A_821] : memref<2x160x128xf32, #tpu.memory_space<vmem>> -> memref<1x20x64xf32, #tpu.memory_space<vmem>>
      %dma_start3A_823 = tpu.memref_squeeze %dma_start3A_822 : memref<1x20x64xf32, #tpu.memory_space<vmem>> -> memref<20x64xf32, #tpu.memory_space<vmem>>
      %dma_start3A_824 = arith.constant 0 : i32
      %dma_start3A_825 = arith.constant 0 : i32
      %dma_start3A_826 = tpu.memref_slice %arg4[%add3A_817, %dma_start3A_824, %dma_start3A_825] : memref<16384x20x64xf32, #tpu.memory_space<hbm>> -> memref<1x20x64xf32, #tpu.memory_space<hbm>>
      %dma_start3A_827 = tpu.memref_squeeze %dma_start3A_826 : memref<1x20x64xf32, #tpu.memory_space<hbm>> -> memref<20x64xf32, #tpu.memory_space<hbm>>
      %dma_start3A_828 = tpu.memref_slice %arg8[%dma_start3A_819] : memref<2x!tpu.dma_semaphore, #tpu.memory_space<semaphore_mem>> -> memref<1x!tpu.dma_semaphore, #tpu.memory_space<semaphore_mem>>
      %dma_start3A_829 = tpu.memref_squeeze %dma_start3A_828 : memref<1x!tpu.dma_semaphore, #tpu.memory_space<semaphore_mem>> -> memref<!tpu.dma_semaphore, #tpu.memory_space<semaphore_mem>>
      %dma_start3A_830 = arith.constant 0 : i32
      %dma_start3A_831 = arith.constant 0 : i32
      %dma_start3A_832 = tpu.memref_slice %arg4[%add3A_817, %dma_start3A_830, %dma_start3A_831] : memref<16384x20x64xf32, #tpu.memory_space<hbm>> -> memref<1x20x64xf32, #tpu.memory_space<hbm>>
      %dma_start3A_833 = tpu.memref_squeeze %dma_start3A_832 : memref<1x20x64xf32, #tpu.memory_space<hbm>> -> memref<20x64xf32, #tpu.memory_space<hbm>>
      %dma_start3A_834 = arith.constant 120 : i32
      %dma_start3A_835 = arith.constant 0 : i32
      %dma_start3A_836 = tpu.memref_slice %arg6[%dma_start3A_818, %dma_start3A_834, %dma_start3A_835] : memref<2x160x128xf32, #tpu.memory_space<vmem>> -> memref<1x20x64xf32, #tpu.memory_space<vmem>>
      %dma_start3A_837 = tpu.memref_squeeze %dma_start3A_836 : memref<1x20x64xf32, #tpu.memory_space<vmem>> -> memref<20x64xf32, #tpu.memory_space<vmem>>
      tpu.enqueue_dma source(%dma_start3A_837 : memref<20x64xf32, #tpu.memory_space<vmem>>) target(%dma_start3A_833 : memref<20x64xf32, #tpu.memory_space<hbm>>) target_semaphore(%dma_start3A_829 : memref<!tpu.dma_semaphore, #tpu.memory_space<semaphore_mem>>)
      %mul3A_838 = arith.constant 512 : i32
      %mul3A_839 = arith.muli %add3A, %mul3A_838 : i32
      %mul3A_840 = arith.constant 8 : i32
      %mul3A_841 = arith.muli %add3A_618, %mul3A_840 : i32
      %add3A_842 = arith.addi %mul3A_839, %mul3A_841 : i32
      %add3A_843 = arith.constant 7 : i32
      %add3A_844 = arith.addi %add3A_842, %add3A_843 : i32
      %dma_start3A_845 = arith.constant 1 : i32
      %dma_start3A_846 = arith.constant 1 : i32
      %dma_start3A_847 = arith.constant 140 : i32
      %dma_start3A_848 = arith.constant 0 : i32
      %dma_start3A_849 = tpu.memref_slice %arg6[%dma_start3A_845, %dma_start3A_847, %dma_start3A_848] : memref<2x160x128xf32, #tpu.memory_space<vmem>> -> memref<1x20x64xf32, #tpu.memory_space<vmem>>
      %dma_start3A_850 = tpu.memref_squeeze %dma_start3A_849 : memref<1x20x64xf32, #tpu.memory_space<vmem>> -> memref<20x64xf32, #tpu.memory_space<vmem>>
      %dma_start3A_851 = arith.constant 0 : i32
      %dma_start3A_852 = arith.constant 0 : i32
      %dma_start3A_853 = tpu.memref_slice %arg4[%add3A_844, %dma_start3A_851, %dma_start3A_852] : memref<16384x20x64xf32, #tpu.memory_space<hbm>> -> memref<1x20x64xf32, #tpu.memory_space<hbm>>
      %dma_start3A_854 = tpu.memref_squeeze %dma_start3A_853 : memref<1x20x64xf32, #tpu.memory_space<hbm>> -> memref<20x64xf32, #tpu.memory_space<hbm>>
      %dma_start3A_855 = tpu.memref_slice %arg8[%dma_start3A_846] : memref<2x!tpu.dma_semaphore, #tpu.memory_space<semaphore_mem>> -> memref<1x!tpu.dma_semaphore, #tpu.memory_space<semaphore_mem>>
      %dma_start3A_856 = tpu.memref_squeeze %dma_start3A_855 : memref<1x!tpu.dma_semaphore, #tpu.memory_space<semaphore_mem>> -> memref<!tpu.dma_semaphore, #tpu.memory_space<semaphore_mem>>
      %dma_start3A_857 = arith.constant 0 : i32
      %dma_start3A_858 = arith.constant 0 : i32
      %dma_start3A_859 = tpu.memref_slice %arg4[%add3A_844, %dma_start3A_857, %dma_start3A_858] : memref<16384x20x64xf32, #tpu.memory_space<hbm>> -> memref<1x20x64xf32, #tpu.memory_space<hbm>>
      %dma_start3A_860 = tpu.memref_squeeze %dma_start3A_859 : memref<1x20x64xf32, #tpu.memory_space<hbm>> -> memref<20x64xf32, #tpu.memory_space<hbm>>
      %dma_start3A_861 = arith.constant 140 : i32
      %dma_start3A_862 = arith.constant 0 : i32
      %dma_start3A_863 = tpu.memref_slice %arg6[%dma_start3A_845, %dma_start3A_861, %dma_start3A_862] : memref<2x160x128xf32, #tpu.memory_space<vmem>> -> memref<1x20x64xf32, #tpu.memory_space<vmem>>
      %dma_start3A_864 = tpu.memref_squeeze %dma_start3A_863 : memref<1x20x64xf32, #tpu.memory_space<vmem>> -> memref<20x64xf32, #tpu.memory_space<vmem>>
      tpu.enqueue_dma source(%dma_start3A_864 : memref<20x64xf32, #tpu.memory_space<vmem>>) target(%dma_start3A_860 : memref<20x64xf32, #tpu.memory_space<hbm>>) target_semaphore(%dma_start3A_856 : memref<!tpu.dma_semaphore, #tpu.memory_space<semaphore_mem>>)
    }
    %scan3A_32 = arith.constant 32 : i32
    %dma_wait3A = arith.constant 0 : i32
    %dma_wait3A_33 = arith.constant 0 : i32
    %dma_wait3A_34 = arith.constant 0 : i32
    %dma_wait3A_35 = arith.constant 0 : i32
    %dma_wait3A_36 = arith.constant 0 : i32
    %dma_wait3A_37 = tpu.memref_slice %arg6[%dma_wait3A, %dma_wait3A_35, %dma_wait3A_36] : memref<2x160x128xf32, #tpu.memory_space<vmem>> -> memref<1x20x64xf32, #tpu.memory_space<vmem>>
    %dma_wait3A_38 = tpu.memref_squeeze %dma_wait3A_37 : memref<1x20x64xf32, #tpu.memory_space<vmem>> -> memref<20x64xf32, #tpu.memory_space<vmem>>
    %dma_wait3A_39 = arith.constant 0 : i32
    %dma_wait3A_40 = arith.constant 0 : i32
    %dma_wait3A_41 = tpu.memref_slice %arg4[%dma_wait3A_33, %dma_wait3A_39, %dma_wait3A_40] : memref<16384x20x64xf32, #tpu.memory_space<hbm>> -> memref<1x20x64xf32, #tpu.memory_space<hbm>>
    %dma_wait3A_42 = tpu.memref_squeeze %dma_wait3A_41 : memref<1x20x64xf32, #tpu.memory_space<hbm>> -> memref<20x64xf32, #tpu.memory_space<hbm>>
    %dma_wait3A_43 = tpu.memref_slice %arg8[%dma_wait3A_34] : memref<2x!tpu.dma_semaphore, #tpu.memory_space<semaphore_mem>> -> memref<1x!tpu.dma_semaphore, #tpu.memory_space<semaphore_mem>>
    %dma_wait3A_44 = tpu.memref_squeeze %dma_wait3A_43 : memref<1x!tpu.dma_semaphore, #tpu.memory_space<semaphore_mem>> -> memref<!tpu.dma_semaphore, #tpu.memory_space<semaphore_mem>>
    %dma_wait3A_45 = arith.constant 0 : i32
    %dma_wait3A_46 = arith.constant 0 : i32
    %dma_wait3A_47 = tpu.memref_slice %arg4[%dma_wait3A_33, %dma_wait3A_45, %dma_wait3A_46] : memref<16384x20x64xf32, #tpu.memory_space<hbm>> -> memref<1x20x64xf32, #tpu.memory_space<hbm>>
    %dma_wait3A_48 = tpu.memref_squeeze %dma_wait3A_47 : memref<1x20x64xf32, #tpu.memory_space<hbm>> -> memref<20x64xf32, #tpu.memory_space<hbm>>
    %dma_wait3A_49 = arith.constant 0 : i32
    %dma_wait3A_50 = arith.constant 0 : i32
    %dma_wait3A_51 = tpu.memref_slice %arg6[%dma_wait3A, %dma_wait3A_49, %dma_wait3A_50] : memref<2x160x128xf32, #tpu.memory_space<vmem>> -> memref<1x20x64xf32, #tpu.memory_space<vmem>>
    %dma_wait3A_52 = tpu.memref_squeeze %dma_wait3A_51 : memref<1x20x64xf32, #tpu.memory_space<vmem>> -> memref<20x64xf32, #tpu.memory_space<vmem>>
    tpu.wait_dma2 semaphore(%dma_wait3A_44 : memref<!tpu.dma_semaphore, #tpu.memory_space<semaphore_mem>>) src(%dma_wait3A_52 : memref<20x64xf32, #tpu.memory_space<vmem>>) dst(%dma_wait3A_48 : memref<20x64xf32, #tpu.memory_space<hbm>>)
    %dma_wait3A_53 = arith.constant 0 : i32
    %dma_wait3A_54 = arith.constant 0 : i32
    %dma_wait3A_55 = arith.constant 0 : i32
    %dma_wait3A_56 = arith.constant 0 : i32
    %dma_wait3A_57 = arith.constant 0 : i32
    %dma_wait3A_58 = tpu.memref_slice %arg6[%dma_wait3A_53, %dma_wait3A_56, %dma_wait3A_57] : memref<2x160x128xf32, #tpu.memory_space<vmem>> -> memref<1x20x64xf32, #tpu.memory_space<vmem>>
    %dma_wait3A_59 = tpu.memref_squeeze %dma_wait3A_58 : memref<1x20x64xf32, #tpu.memory_space<vmem>> -> memref<20x64xf32, #tpu.memory_space<vmem>>
    %dma_wait3A_60 = arith.constant 0 : i32
    %dma_wait3A_61 = arith.constant 0 : i32
    %dma_wait3A_62 = tpu.memref_slice %arg4[%dma_wait3A_54, %dma_wait3A_60, %dma_wait3A_61] : memref<16384x20x64xf32, #tpu.memory_space<hbm>> -> memref<1x20x64xf32, #tpu.memory_space<hbm>>
    %dma_wait3A_63 = tpu.memref_squeeze %dma_wait3A_62 : memref<1x20x64xf32, #tpu.memory_space<hbm>> -> memref<20x64xf32, #tpu.memory_space<hbm>>
    %dma_wait3A_64 = tpu.memref_slice %arg8[%dma_wait3A_55] : memref<2x!tpu.dma_semaphore, #tpu.memory_space<semaphore_mem>> -> memref<1x!tpu.dma_semaphore, #tpu.memory_space<semaphore_mem>>
    %dma_wait3A_65 = tpu.memref_squeeze %dma_wait3A_64 : memref<1x!tpu.dma_semaphore, #tpu.memory_space<semaphore_mem>> -> memref<!tpu.dma_semaphore, #tpu.memory_space<semaphore_mem>>
    %dma_wait3A_66 = arith.constant 0 : i32
    %dma_wait3A_67 = arith.constant 0 : i32
    %dma_wait3A_68 = tpu.memref_slice %arg4[%dma_wait3A_54, %dma_wait3A_66, %dma_wait3A_67] : memref<16384x20x64xf32, #tpu.memory_space<hbm>> -> memref<1x20x64xf32, #tpu.memory_space<hbm>>
    %dma_wait3A_69 = tpu.memref_squeeze %dma_wait3A_68 : memref<1x20x64xf32, #tpu.memory_space<hbm>> -> memref<20x64xf32, #tpu.memory_space<hbm>>
    %dma_wait3A_70 = arith.constant 0 : i32
    %dma_wait3A_71 = arith.constant 0 : i32
    %dma_wait3A_72 = tpu.memref_slice %arg6[%dma_wait3A_53, %dma_wait3A_70, %dma_wait3A_71] : memref<2x160x128xf32, #tpu.memory_space<vmem>> -> memref<1x20x64xf32, #tpu.memory_space<vmem>>
    %dma_wait3A_73 = tpu.memref_squeeze %dma_wait3A_72 : memref<1x20x64xf32, #tpu.memory_space<vmem>> -> memref<20x64xf32, #tpu.memory_space<vmem>>
    tpu.wait_dma2 semaphore(%dma_wait3A_65 : memref<!tpu.dma_semaphore, #tpu.memory_space<semaphore_mem>>) src(%dma_wait3A_73 : memref<20x64xf32, #tpu.memory_space<vmem>>) dst(%dma_wait3A_69 : memref<20x64xf32, #tpu.memory_space<hbm>>)
    %dma_wait3A_74 = arith.constant 0 : i32
    %dma_wait3A_75 = arith.constant 0 : i32
    %dma_wait3A_76 = arith.constant 0 : i32
    %dma_wait3A_77 = arith.constant 0 : i32
    %dma_wait3A_78 = arith.constant 0 : i32
    %dma_wait3A_79 = tpu.memref_slice %arg6[%dma_wait3A_74, %dma_wait3A_77, %dma_wait3A_78] : memref<2x160x128xf32, #tpu.memory_space<vmem>> -> memref<1x20x64xf32, #tpu.memory_space<vmem>>
    %dma_wait3A_80 = tpu.memref_squeeze %dma_wait3A_79 : memref<1x20x64xf32, #tpu.memory_space<vmem>> -> memref<20x64xf32, #tpu.memory_space<vmem>>
    %dma_wait3A_81 = arith.constant 0 : i32
    %dma_wait3A_82 = arith.constant 0 : i32
    %dma_wait3A_83 = tpu.memref_slice %arg4[%dma_wait3A_75, %dma_wait3A_81, %dma_wait3A_82] : memref<16384x20x64xf32, #tpu.memory_space<hbm>> -> memref<1x20x64xf32, #tpu.memory_space<hbm>>
    %dma_wait3A_84 = tpu.memref_squeeze %dma_wait3A_83 : memref<1x20x64xf32, #tpu.memory_space<hbm>> -> memref<20x64xf32, #tpu.memory_space<hbm>>
    %dma_wait3A_85 = tpu.memref_slice %arg8[%dma_wait3A_76] : memref<2x!tpu.dma_semaphore, #tpu.memory_space<semaphore_mem>> -> memref<1x!tpu.dma_semaphore, #tpu.memory_space<semaphore_mem>>
    %dma_wait3A_86 = tpu.memref_squeeze %dma_wait3A_85 : memref<1x!tpu.dma_semaphore, #tpu.memory_space<semaphore_mem>> -> memref<!tpu.dma_semaphore, #tpu.memory_space<semaphore_mem>>
    %dma_wait3A_87 = arith.constant 0 : i32
    %dma_wait3A_88 = arith.constant 0 : i32
    %dma_wait3A_89 = tpu.memref_slice %arg4[%dma_wait3A_75, %dma_wait3A_87, %dma_wait3A_88] : memref<16384x20x64xf32, #tpu.memory_space<hbm>> -> memref<1x20x64xf32, #tpu.memory_space<hbm>>
    %dma_wait3A_90 = tpu.memref_squeeze %dma_wait3A_89 : memref<1x20x64xf32, #tpu.memory_space<hbm>> -> memref<20x64xf32, #tpu.memory_space<hbm>>
    %dma_wait3A_91 = arith.constant 0 : i32
    %dma_wait3A_92 = arith.constant 0 : i32
    %dma_wait3A_93 = tpu.memref_slice %arg6[%dma_wait3A_74, %dma_wait3A_91, %dma_wait3A_92] : memref<2x160x128xf32, #tpu.memory_space<vmem>> -> memref<1x20x64xf32, #tpu.memory_space<vmem>>
    %dma_wait3A_94 = tpu.memref_squeeze %dma_wait3A_93 : memref<1x20x64xf32, #tpu.memory_space<vmem>> -> memref<20x64xf32, #tpu.memory_space<vmem>>
    tpu.wait_dma2 semaphore(%dma_wait3A_86 : memref<!tpu.dma_semaphore, #tpu.memory_space<semaphore_mem>>) src(%dma_wait3A_94 : memref<20x64xf32, #tpu.memory_space<vmem>>) dst(%dma_wait3A_90 : memref<20x64xf32, #tpu.memory_space<hbm>>)
    %dma_wait3A_95 = arith.constant 0 : i32
    %dma_wait3A_96 = arith.constant 0 : i32
    %dma_wait3A_97 = arith.constant 0 : i32
    %dma_wait3A_98 = arith.constant 0 : i32
    %dma_wait3A_99 = arith.constant 0 : i32
    %dma_wait3A_100 = tpu.memref_slice %arg6[%dma_wait3A_95, %dma_wait3A_98, %dma_wait3A_99] : memref<2x160x128xf32, #tpu.memory_space<vmem>> -> memref<1x20x64xf32, #tpu.memory_space<vmem>>
    %dma_wait3A_101 = tpu.memref_squeeze %dma_wait3A_100 : memref<1x20x64xf32, #tpu.memory_space<vmem>> -> memref<20x64xf32, #tpu.memory_space<vmem>>
    %dma_wait3A_102 = arith.constant 0 : i32
    %dma_wait3A_103 = arith.constant 0 : i32
    %dma_wait3A_104 = tpu.memref_slice %arg4[%dma_wait3A_96, %dma_wait3A_102, %dma_wait3A_103] : memref<16384x20x64xf32, #tpu.memory_space<hbm>> -> memref<1x20x64xf32, #tpu.memory_space<hbm>>
    %dma_wait3A_105 = tpu.memref_squeeze %dma_wait3A_104 : memref<1x20x64xf32, #tpu.memory_space<hbm>> -> memref<20x64xf32, #tpu.memory_space<hbm>>
    %dma_wait3A_106 = tpu.memref_slice %arg8[%dma_wait3A_97] : memref<2x!tpu.dma_semaphore, #tpu.memory_space<semaphore_mem>> -> memref<1x!tpu.dma_semaphore, #tpu.memory_space<semaphore_mem>>
    %dma_wait3A_107 = tpu.memref_squeeze %dma_wait3A_106 : memref<1x!tpu.dma_semaphore, #tpu.memory_space<semaphore_mem>> -> memref<!tpu.dma_semaphore, #tpu.memory_space<semaphore_mem>>
    %dma_wait3A_108 = arith.constant 0 : i32
    %dma_wait3A_109 = arith.constant 0 : i32
    %dma_wait3A_110 = tpu.memref_slice %arg4[%dma_wait3A_96, %dma_wait3A_108, %dma_wait3A_109] : memref<16384x20x64xf32, #tpu.memory_space<hbm>> -> memref<1x20x64xf32, #tpu.memory_space<hbm>>
    %dma_wait3A_111 = tpu.memref_squeeze %dma_wait3A_110 : memref<1x20x64xf32, #tpu.memory_space<hbm>> -> memref<20x64xf32, #tpu.memory_space<hbm>>
    %dma_wait3A_112 = arith.constant 0 : i32
    %dma_wait3A_113 = arith.constant 0 : i32
    %dma_wait3A_114 = tpu.memref_slice %arg6[%dma_wait3A_95, %dma_wait3A_112, %dma_wait3A_113] : memref<2x160x128xf32, #tpu.memory_space<vmem>> -> memref<1x20x64xf32, #tpu.memory_space<vmem>>
    %dma_wait3A_115 = tpu.memref_squeeze %dma_wait3A_114 : memref<1x20x64xf32, #tpu.memory_space<vmem>> -> memref<20x64xf32, #tpu.memory_space<vmem>>
    tpu.wait_dma2 semaphore(%dma_wait3A_107 : memref<!tpu.dma_semaphore, #tpu.memory_space<semaphore_mem>>) src(%dma_wait3A_115 : memref<20x64xf32, #tpu.memory_space<vmem>>) dst(%dma_wait3A_111 : memref<20x64xf32, #tpu.memory_space<hbm>>)
    %dma_wait3A_116 = arith.constant 0 : i32
    %dma_wait3A_117 = arith.constant 0 : i32
    %dma_wait3A_118 = arith.constant 0 : i32
    %dma_wait3A_119 = arith.constant 0 : i32
    %dma_wait3A_120 = arith.constant 0 : i32
    %dma_wait3A_121 = tpu.memref_slice %arg6[%dma_wait3A_116, %dma_wait3A_119, %dma_wait3A_120] : memref<2x160x128xf32, #tpu.memory_space<vmem>> -> memref<1x20x64xf32, #tpu.memory_space<vmem>>
    %dma_wait3A_122 = tpu.memref_squeeze %dma_wait3A_121 : memref<1x20x64xf32, #tpu.memory_space<vmem>> -> memref<20x64xf32, #tpu.memory_space<vmem>>
    %dma_wait3A_123 = arith.constant 0 : i32
    %dma_wait3A_124 = arith.constant 0 : i32
    %dma_wait3A_125 = tpu.memref_slice %arg4[%dma_wait3A_117, %dma_wait3A_123, %dma_wait3A_124] : memref<16384x20x64xf32, #tpu.memory_space<hbm>> -> memref<1x20x64xf32, #tpu.memory_space<hbm>>
    %dma_wait3A_126 = tpu.memref_squeeze %dma_wait3A_125 : memref<1x20x64xf32, #tpu.memory_space<hbm>> -> memref<20x64xf32, #tpu.memory_space<hbm>>
    %dma_wait3A_127 = tpu.memref_slice %arg8[%dma_wait3A_118] : memref<2x!tpu.dma_semaphore, #tpu.memory_space<semaphore_mem>> -> memref<1x!tpu.dma_semaphore, #tpu.memory_space<semaphore_mem>>
    %dma_wait3A_128 = tpu.memref_squeeze %dma_wait3A_127 : memref<1x!tpu.dma_semaphore, #tpu.memory_space<semaphore_mem>> -> memref<!tpu.dma_semaphore, #tpu.memory_space<semaphore_mem>>
    %dma_wait3A_129 = arith.constant 0 : i32
    %dma_wait3A_130 = arith.constant 0 : i32
    %dma_wait3A_131 = tpu.memref_slice %arg4[%dma_wait3A_117, %dma_wait3A_129, %dma_wait3A_130] : memref<16384x20x64xf32, #tpu.memory_space<hbm>> -> memref<1x20x64xf32, #tpu.memory_space<hbm>>
    %dma_wait3A_132 = tpu.memref_squeeze %dma_wait3A_131 : memref<1x20x64xf32, #tpu.memory_space<hbm>> -> memref<20x64xf32, #tpu.memory_space<hbm>>
    %dma_wait3A_133 = arith.constant 0 : i32
    %dma_wait3A_134 = arith.constant 0 : i32
    %dma_wait3A_135 = tpu.memref_slice %arg6[%dma_wait3A_116, %dma_wait3A_133, %dma_wait3A_134] : memref<2x160x128xf32, #tpu.memory_space<vmem>> -> memref<1x20x64xf32, #tpu.memory_space<vmem>>
    %dma_wait3A_136 = tpu.memref_squeeze %dma_wait3A_135 : memref<1x20x64xf32, #tpu.memory_space<vmem>> -> memref<20x64xf32, #tpu.memory_space<vmem>>
    tpu.wait_dma2 semaphore(%dma_wait3A_128 : memref<!tpu.dma_semaphore, #tpu.memory_space<semaphore_mem>>) src(%dma_wait3A_136 : memref<20x64xf32, #tpu.memory_space<vmem>>) dst(%dma_wait3A_132 : memref<20x64xf32, #tpu.memory_space<hbm>>)
    %dma_wait3A_137 = arith.constant 0 : i32
    %dma_wait3A_138 = arith.constant 0 : i32
    %dma_wait3A_139 = arith.constant 0 : i32
    %dma_wait3A_140 = arith.constant 0 : i32
    %dma_wait3A_141 = arith.constant 0 : i32
    %dma_wait3A_142 = tpu.memref_slice %arg6[%dma_wait3A_137, %dma_wait3A_140, %dma_wait3A_141] : memref<2x160x128xf32, #tpu.memory_space<vmem>> -> memref<1x20x64xf32, #tpu.memory_space<vmem>>
    %dma_wait3A_143 = tpu.memref_squeeze %dma_wait3A_142 : memref<1x20x64xf32, #tpu.memory_space<vmem>> -> memref<20x64xf32, #tpu.memory_space<vmem>>
    %dma_wait3A_144 = arith.constant 0 : i32
    %dma_wait3A_145 = arith.constant 0 : i32
    %dma_wait3A_146 = tpu.memref_slice %arg4[%dma_wait3A_138, %dma_wait3A_144, %dma_wait3A_145] : memref<16384x20x64xf32, #tpu.memory_space<hbm>> -> memref<1x20x64xf32, #tpu.memory_space<hbm>>
    %dma_wait3A_147 = tpu.memref_squeeze %dma_wait3A_146 : memref<1x20x64xf32, #tpu.memory_space<hbm>> -> memref<20x64xf32, #tpu.memory_space<hbm>>
    %dma_wait3A_148 = tpu.memref_slice %arg8[%dma_wait3A_139] : memref<2x!tpu.dma_semaphore, #tpu.memory_space<semaphore_mem>> -> memref<1x!tpu.dma_semaphore, #tpu.memory_space<semaphore_mem>>
    %dma_wait3A_149 = tpu.memref_squeeze %dma_wait3A_148 : memref<1x!tpu.dma_semaphore, #tpu.memory_space<semaphore_mem>> -> memref<!tpu.dma_semaphore, #tpu.memory_space<semaphore_mem>>
    %dma_wait3A_150 = arith.constant 0 : i32
    %dma_wait3A_151 = arith.constant 0 : i32
    %dma_wait3A_152 = tpu.memref_slice %arg4[%dma_wait3A_138, %dma_wait3A_150, %dma_wait3A_151] : memref<16384x20x64xf32, #tpu.memory_space<hbm>> -> memref<1x20x64xf32, #tpu.memory_space<hbm>>
    %dma_wait3A_153 = tpu.memref_squeeze %dma_wait3A_152 : memref<1x20x64xf32, #tpu.memory_space<hbm>> -> memref<20x64xf32, #tpu.memory_space<hbm>>
    %dma_wait3A_154 = arith.constant 0 : i32
    %dma_wait3A_155 = arith.constant 0 : i32
    %dma_wait3A_156 = tpu.memref_slice %arg6[%dma_wait3A_137, %dma_wait3A_154, %dma_wait3A_155] : memref<2x160x128xf32, #tpu.memory_space<vmem>> -> memref<1x20x64xf32, #tpu.memory_space<vmem>>
    %dma_wait3A_157 = tpu.memref_squeeze %dma_wait3A_156 : memref<1x20x64xf32, #tpu.memory_space<vmem>> -> memref<20x64xf32, #tpu.memory_space<vmem>>
    tpu.wait_dma2 semaphore(%dma_wait3A_149 : memref<!tpu.dma_semaphore, #tpu.memory_space<semaphore_mem>>) src(%dma_wait3A_157 : memref<20x64xf32, #tpu.memory_space<vmem>>) dst(%dma_wait3A_153 : memref<20x64xf32, #tpu.memory_space<hbm>>)
    %dma_wait3A_158 = arith.constant 0 : i32
    %dma_wait3A_159 = arith.constant 0 : i32
    %dma_wait3A_160 = arith.constant 0 : i32
    %dma_wait3A_161 = arith.constant 0 : i32
    %dma_wait3A_162 = arith.constant 0 : i32
    %dma_wait3A_163 = tpu.memref_slice %arg6[%dma_wait3A_158, %dma_wait3A_161, %dma_wait3A_162] : memref<2x160x128xf32, #tpu.memory_space<vmem>> -> memref<1x20x64xf32, #tpu.memory_space<vmem>>
    %dma_wait3A_164 = tpu.memref_squeeze %dma_wait3A_163 : memref<1x20x64xf32, #tpu.memory_space<vmem>> -> memref<20x64xf32, #tpu.memory_space<vmem>>
    %dma_wait3A_165 = arith.constant 0 : i32
    %dma_wait3A_166 = arith.constant 0 : i32
    %dma_wait3A_167 = tpu.memref_slice %arg4[%dma_wait3A_159, %dma_wait3A_165, %dma_wait3A_166] : memref<16384x20x64xf32, #tpu.memory_space<hbm>> -> memref<1x20x64xf32, #tpu.memory_space<hbm>>
    %dma_wait3A_168 = tpu.memref_squeeze %dma_wait3A_167 : memref<1x20x64xf32, #tpu.memory_space<hbm>> -> memref<20x64xf32, #tpu.memory_space<hbm>>
    %dma_wait3A_169 = tpu.memref_slice %arg8[%dma_wait3A_160] : memref<2x!tpu.dma_semaphore, #tpu.memory_space<semaphore_mem>> -> memref<1x!tpu.dma_semaphore, #tpu.memory_space<semaphore_mem>>
    %dma_wait3A_170 = tpu.memref_squeeze %dma_wait3A_169 : memref<1x!tpu.dma_semaphore, #tpu.memory_space<semaphore_mem>> -> memref<!tpu.dma_semaphore, #tpu.memory_space<semaphore_mem>>
    %dma_wait3A_171 = arith.constant 0 : i32
    %dma_wait3A_172 = arith.constant 0 : i32
    %dma_wait3A_173 = tpu.memref_slice %arg4[%dma_wait3A_159, %dma_wait3A_171, %dma_wait3A_172] : memref<16384x20x64xf32, #tpu.memory_space<hbm>> -> memref<1x20x64xf32, #tpu.memory_space<hbm>>
    %dma_wait3A_174 = tpu.memref_squeeze %dma_wait3A_173 : memref<1x20x64xf32, #tpu.memory_space<hbm>> -> memref<20x64xf32, #tpu.memory_space<hbm>>
    %dma_wait3A_175 = arith.constant 0 : i32
    %dma_wait3A_176 = arith.constant 0 : i32
    %dma_wait3A_177 = tpu.memref_slice %arg6[%dma_wait3A_158, %dma_wait3A_175, %dma_wait3A_176] : memref<2x160x128xf32, #tpu.memory_space<vmem>> -> memref<1x20x64xf32, #tpu.memory_space<vmem>>
    %dma_wait3A_178 = tpu.memref_squeeze %dma_wait3A_177 : memref<1x20x64xf32, #tpu.memory_space<vmem>> -> memref<20x64xf32, #tpu.memory_space<vmem>>
    tpu.wait_dma2 semaphore(%dma_wait3A_170 : memref<!tpu.dma_semaphore, #tpu.memory_space<semaphore_mem>>) src(%dma_wait3A_178 : memref<20x64xf32, #tpu.memory_space<vmem>>) dst(%dma_wait3A_174 : memref<20x64xf32, #tpu.memory_space<hbm>>)
    %dma_wait3A_179 = arith.constant 0 : i32
    %dma_wait3A_180 = arith.constant 0 : i32
    %dma_wait3A_181 = arith.constant 0 : i32
    %dma_wait3A_182 = arith.constant 0 : i32
    %dma_wait3A_183 = arith.constant 0 : i32
    %dma_wait3A_184 = tpu.memref_slice %arg6[%dma_wait3A_179, %dma_wait3A_182, %dma_wait3A_183] : memref<2x160x128xf32, #tpu.memory_space<vmem>> -> memref<1x20x64xf32, #tpu.memory_space<vmem>>
    %dma_wait3A_185 = tpu.memref_squeeze %dma_wait3A_184 : memref<1x20x64xf32, #tpu.memory_space<vmem>> -> memref<20x64xf32, #tpu.memory_space<vmem>>
    %dma_wait3A_186 = arith.constant 0 : i32
    %dma_wait3A_187 = arith.constant 0 : i32
    %dma_wait3A_188 = tpu.memref_slice %arg4[%dma_wait3A_180, %dma_wait3A_186, %dma_wait3A_187] : memref<16384x20x64xf32, #tpu.memory_space<hbm>> -> memref<1x20x64xf32, #tpu.memory_space<hbm>>
    %dma_wait3A_189 = tpu.memref_squeeze %dma_wait3A_188 : memref<1x20x64xf32, #tpu.memory_space<hbm>> -> memref<20x64xf32, #tpu.memory_space<hbm>>
    %dma_wait3A_190 = tpu.memref_slice %arg8[%dma_wait3A_181] : memref<2x!tpu.dma_semaphore, #tpu.memory_space<semaphore_mem>> -> memref<1x!tpu.dma_semaphore, #tpu.memory_space<semaphore_mem>>
    %dma_wait3A_191 = tpu.memref_squeeze %dma_wait3A_190 : memref<1x!tpu.dma_semaphore, #tpu.memory_space<semaphore_mem>> -> memref<!tpu.dma_semaphore, #tpu.memory_space<semaphore_mem>>
    %dma_wait3A_192 = arith.constant 0 : i32
    %dma_wait3A_193 = arith.constant 0 : i32
    %dma_wait3A_194 = tpu.memref_slice %arg4[%dma_wait3A_180, %dma_wait3A_192, %dma_wait3A_193] : memref<16384x20x64xf32, #tpu.memory_space<hbm>> -> memref<1x20x64xf32, #tpu.memory_space<hbm>>
    %dma_wait3A_195 = tpu.memref_squeeze %dma_wait3A_194 : memref<1x20x64xf32, #tpu.memory_space<hbm>> -> memref<20x64xf32, #tpu.memory_space<hbm>>
    %dma_wait3A_196 = arith.constant 0 : i32
    %dma_wait3A_197 = arith.constant 0 : i32
    %dma_wait3A_198 = tpu.memref_slice %arg6[%dma_wait3A_179, %dma_wait3A_196, %dma_wait3A_197] : memref<2x160x128xf32, #tpu.memory_space<vmem>> -> memref<1x20x64xf32, #tpu.memory_space<vmem>>
    %dma_wait3A_199 = tpu.memref_squeeze %dma_wait3A_198 : memref<1x20x64xf32, #tpu.memory_space<vmem>> -> memref<20x64xf32, #tpu.memory_space<vmem>>
    tpu.wait_dma2 semaphore(%dma_wait3A_191 : memref<!tpu.dma_semaphore, #tpu.memory_space<semaphore_mem>>) src(%dma_wait3A_199 : memref<20x64xf32, #tpu.memory_space<vmem>>) dst(%dma_wait3A_195 : memref<20x64xf32, #tpu.memory_space<hbm>>)
    %dma_wait3A_200 = arith.constant 1 : i32
    %dma_wait3A_201 = arith.constant 0 : i32
    %dma_wait3A_202 = arith.constant 1 : i32
    %dma_wait3A_203 = arith.constant 0 : i32
    %dma_wait3A_204 = arith.constant 0 : i32
    %dma_wait3A_205 = tpu.memref_slice %arg6[%dma_wait3A_200, %dma_wait3A_203, %dma_wait3A_204] : memref<2x160x128xf32, #tpu.memory_space<vmem>> -> memref<1x20x64xf32, #tpu.memory_space<vmem>>
    %dma_wait3A_206 = tpu.memref_squeeze %dma_wait3A_205 : memref<1x20x64xf32, #tpu.memory_space<vmem>> -> memref<20x64xf32, #tpu.memory_space<vmem>>
    %dma_wait3A_207 = arith.constant 0 : i32
    %dma_wait3A_208 = arith.constant 0 : i32
    %dma_wait3A_209 = tpu.memref_slice %arg4[%dma_wait3A_201, %dma_wait3A_207, %dma_wait3A_208] : memref<16384x20x64xf32, #tpu.memory_space<hbm>> -> memref<1x20x64xf32, #tpu.memory_space<hbm>>
    %dma_wait3A_210 = tpu.memref_squeeze %dma_wait3A_209 : memref<1x20x64xf32, #tpu.memory_space<hbm>> -> memref<20x64xf32, #tpu.memory_space<hbm>>
    %dma_wait3A_211 = tpu.memref_slice %arg8[%dma_wait3A_202] : memref<2x!tpu.dma_semaphore, #tpu.memory_space<semaphore_mem>> -> memref<1x!tpu.dma_semaphore, #tpu.memory_space<semaphore_mem>>
    %dma_wait3A_212 = tpu.memref_squeeze %dma_wait3A_211 : memref<1x!tpu.dma_semaphore, #tpu.memory_space<semaphore_mem>> -> memref<!tpu.dma_semaphore, #tpu.memory_space<semaphore_mem>>
    %dma_wait3A_213 = arith.constant 0 : i32
    %dma_wait3A_214 = arith.constant 0 : i32
    %dma_wait3A_215 = tpu.memref_slice %arg4[%dma_wait3A_201, %dma_wait3A_213, %dma_wait3A_214] : memref<16384x20x64xf32, #tpu.memory_space<hbm>> -> memref<1x20x64xf32, #tpu.memory_space<hbm>>
    %dma_wait3A_216 = tpu.memref_squeeze %dma_wait3A_215 : memref<1x20x64xf32, #tpu.memory_space<hbm>> -> memref<20x64xf32, #tpu.memory_space<hbm>>
    %dma_wait3A_217 = arith.constant 0 : i32
    %dma_wait3A_218 = arith.constant 0 : i32
    %dma_wait3A_219 = tpu.memref_slice %arg6[%dma_wait3A_200, %dma_wait3A_217, %dma_wait3A_218] : memref<2x160x128xf32, #tpu.memory_space<vmem>> -> memref<1x20x64xf32, #tpu.memory_space<vmem>>
    %dma_wait3A_220 = tpu.memref_squeeze %dma_wait3A_219 : memref<1x20x64xf32, #tpu.memory_space<vmem>> -> memref<20x64xf32, #tpu.memory_space<vmem>>
    tpu.wait_dma2 semaphore(%dma_wait3A_212 : memref<!tpu.dma_semaphore, #tpu.memory_space<semaphore_mem>>) src(%dma_wait3A_220 : memref<20x64xf32, #tpu.memory_space<vmem>>) dst(%dma_wait3A_216 : memref<20x64xf32, #tpu.memory_space<hbm>>)
    %dma_wait3A_221 = arith.constant 1 : i32
    %dma_wait3A_222 = arith.constant 0 : i32
    %dma_wait3A_223 = arith.constant 1 : i32
    %dma_wait3A_224 = arith.constant 0 : i32
    %dma_wait3A_225 = arith.constant 0 : i32
    %dma_wait3A_226 = tpu.memref_slice %arg6[%dma_wait3A_221, %dma_wait3A_224, %dma_wait3A_225] : memref<2x160x128xf32, #tpu.memory_space<vmem>> -> memref<1x20x64xf32, #tpu.memory_space<vmem>>
    %dma_wait3A_227 = tpu.memref_squeeze %dma_wait3A_226 : memref<1x20x64xf32, #tpu.memory_space<vmem>> -> memref<20x64xf32, #tpu.memory_space<vmem>>
    %dma_wait3A_228 = arith.constant 0 : i32
    %dma_wait3A_229 = arith.constant 0 : i32
    %dma_wait3A_230 = tpu.memref_slice %arg4[%dma_wait3A_222, %dma_wait3A_228, %dma_wait3A_229] : memref<16384x20x64xf32, #tpu.memory_space<hbm>> -> memref<1x20x64xf32, #tpu.memory_space<hbm>>
    %dma_wait3A_231 = tpu.memref_squeeze %dma_wait3A_230 : memref<1x20x64xf32, #tpu.memory_space<hbm>> -> memref<20x64xf32, #tpu.memory_space<hbm>>
    %dma_wait3A_232 = tpu.memref_slice %arg8[%dma_wait3A_223] : memref<2x!tpu.dma_semaphore, #tpu.memory_space<semaphore_mem>> -> memref<1x!tpu.dma_semaphore, #tpu.memory_space<semaphore_mem>>
    %dma_wait3A_233 = tpu.memref_squeeze %dma_wait3A_232 : memref<1x!tpu.dma_semaphore, #tpu.memory_space<semaphore_mem>> -> memref<!tpu.dma_semaphore, #tpu.memory_space<semaphore_mem>>
    %dma_wait3A_234 = arith.constant 0 : i32
    %dma_wait3A_235 = arith.constant 0 : i32
    %dma_wait3A_236 = tpu.memref_slice %arg4[%dma_wait3A_222, %dma_wait3A_234, %dma_wait3A_235] : memref<16384x20x64xf32, #tpu.memory_space<hbm>> -> memref<1x20x64xf32, #tpu.memory_space<hbm>>
    %dma_wait3A_237 = tpu.memref_squeeze %dma_wait3A_236 : memref<1x20x64xf32, #tpu.memory_space<hbm>> -> memref<20x64xf32, #tpu.memory_space<hbm>>
    %dma_wait3A_238 = arith.constant 0 : i32
    %dma_wait3A_239 = arith.constant 0 : i32
    %dma_wait3A_240 = tpu.memref_slice %arg6[%dma_wait3A_221, %dma_wait3A_238, %dma_wait3A_239] : memref<2x160x128xf32, #tpu.memory_space<vmem>> -> memref<1x20x64xf32, #tpu.memory_space<vmem>>
    %dma_wait3A_241 = tpu.memref_squeeze %dma_wait3A_240 : memref<1x20x64xf32, #tpu.memory_space<vmem>> -> memref<20x64xf32, #tpu.memory_space<vmem>>
    tpu.wait_dma2 semaphore(%dma_wait3A_233 : memref<!tpu.dma_semaphore, #tpu.memory_space<semaphore_mem>>) src(%dma_wait3A_241 : memref<20x64xf32, #tpu.memory_space<vmem>>) dst(%dma_wait3A_237 : memref<20x64xf32, #tpu.memory_space<hbm>>)
    %dma_wait3A_242 = arith.constant 1 : i32
    %dma_wait3A_243 = arith.constant 0 : i32
    %dma_wait3A_244 = arith.constant 1 : i32
    %dma_wait3A_245 = arith.constant 0 : i32
    %dma_wait3A_246 = arith.constant 0 : i32
    %dma_wait3A_247 = tpu.memref_slice %arg6[%dma_wait3A_242, %dma_wait3A_245, %dma_wait3A_246] : memref<2x160x128xf32, #tpu.memory_space<vmem>> -> memref<1x20x64xf32, #tpu.memory_space<vmem>>
    %dma_wait3A_248 = tpu.memref_squeeze %dma_wait3A_247 : memref<1x20x64xf32, #tpu.memory_space<vmem>> -> memref<20x64xf32, #tpu.memory_space<vmem>>
    %dma_wait3A_249 = arith.constant 0 : i32
    %dma_wait3A_250 = arith.constant 0 : i32
    %dma_wait3A_251 = tpu.memref_slice %arg4[%dma_wait3A_243, %dma_wait3A_249, %dma_wait3A_250] : memref<16384x20x64xf32, #tpu.memory_space<hbm>> -> memref<1x20x64xf32, #tpu.memory_space<hbm>>
    %dma_wait3A_252 = tpu.memref_squeeze %dma_wait3A_251 : memref<1x20x64xf32, #tpu.memory_space<hbm>> -> memref<20x64xf32, #tpu.memory_space<hbm>>
    %dma_wait3A_253 = tpu.memref_slice %arg8[%dma_wait3A_244] : memref<2x!tpu.dma_semaphore, #tpu.memory_space<semaphore_mem>> -> memref<1x!tpu.dma_semaphore, #tpu.memory_space<semaphore_mem>>
    %dma_wait3A_254 = tpu.memref_squeeze %dma_wait3A_253 : memref<1x!tpu.dma_semaphore, #tpu.memory_space<semaphore_mem>> -> memref<!tpu.dma_semaphore, #tpu.memory_space<semaphore_mem>>
    %dma_wait3A_255 = arith.constant 0 : i32
    %dma_wait3A_256 = arith.constant 0 : i32
    %dma_wait3A_257 = tpu.memref_slice %arg4[%dma_wait3A_243, %dma_wait3A_255, %dma_wait3A_256] : memref<16384x20x64xf32, #tpu.memory_space<hbm>> -> memref<1x20x64xf32, #tpu.memory_space<hbm>>
    %dma_wait3A_258 = tpu.memref_squeeze %dma_wait3A_257 : memref<1x20x64xf32, #tpu.memory_space<hbm>> -> memref<20x64xf32, #tpu.memory_space<hbm>>
    %dma_wait3A_259 = arith.constant 0 : i32
    %dma_wait3A_260 = arith.constant 0 : i32
    %dma_wait3A_261 = tpu.memref_slice %arg6[%dma_wait3A_242, %dma_wait3A_259, %dma_wait3A_260] : memref<2x160x128xf32, #tpu.memory_space<vmem>> -> memref<1x20x64xf32, #tpu.memory_space<vmem>>
    %dma_wait3A_262 = tpu.memref_squeeze %dma_wait3A_261 : memref<1x20x64xf32, #tpu.memory_space<vmem>> -> memref<20x64xf32, #tpu.memory_space<vmem>>
    tpu.wait_dma2 semaphore(%dma_wait3A_254 : memref<!tpu.dma_semaphore, #tpu.memory_space<semaphore_mem>>) src(%dma_wait3A_262 : memref<20x64xf32, #tpu.memory_space<vmem>>) dst(%dma_wait3A_258 : memref<20x64xf32, #tpu.memory_space<hbm>>)
    %dma_wait3A_263 = arith.constant 1 : i32
    %dma_wait3A_264 = arith.constant 0 : i32
    %dma_wait3A_265 = arith.constant 1 : i32
    %dma_wait3A_266 = arith.constant 0 : i32
    %dma_wait3A_267 = arith.constant 0 : i32
    %dma_wait3A_268 = tpu.memref_slice %arg6[%dma_wait3A_263, %dma_wait3A_266, %dma_wait3A_267] : memref<2x160x128xf32, #tpu.memory_space<vmem>> -> memref<1x20x64xf32, #tpu.memory_space<vmem>>
    %dma_wait3A_269 = tpu.memref_squeeze %dma_wait3A_268 : memref<1x20x64xf32, #tpu.memory_space<vmem>> -> memref<20x64xf32, #tpu.memory_space<vmem>>
    %dma_wait3A_270 = arith.constant 0 : i32
    %dma_wait3A_271 = arith.constant 0 : i32
    %dma_wait3A_272 = tpu.memref_slice %arg4[%dma_wait3A_264, %dma_wait3A_270, %dma_wait3A_271] : memref<16384x20x64xf32, #tpu.memory_space<hbm>> -> memref<1x20x64xf32, #tpu.memory_space<hbm>>
    %dma_wait3A_273 = tpu.memref_squeeze %dma_wait3A_272 : memref<1x20x64xf32, #tpu.memory_space<hbm>> -> memref<20x64xf32, #tpu.memory_space<hbm>>
    %dma_wait3A_274 = tpu.memref_slice %arg8[%dma_wait3A_265] : memref<2x!tpu.dma_semaphore, #tpu.memory_space<semaphore_mem>> -> memref<1x!tpu.dma_semaphore, #tpu.memory_space<semaphore_mem>>
    %dma_wait3A_275 = tpu.memref_squeeze %dma_wait3A_274 : memref<1x!tpu.dma_semaphore, #tpu.memory_space<semaphore_mem>> -> memref<!tpu.dma_semaphore, #tpu.memory_space<semaphore_mem>>
    %dma_wait3A_276 = arith.constant 0 : i32
    %dma_wait3A_277 = arith.constant 0 : i32
    %dma_wait3A_278 = tpu.memref_slice %arg4[%dma_wait3A_264, %dma_wait3A_276, %dma_wait3A_277] : memref<16384x20x64xf32, #tpu.memory_space<hbm>> -> memref<1x20x64xf32, #tpu.memory_space<hbm>>
    %dma_wait3A_279 = tpu.memref_squeeze %dma_wait3A_278 : memref<1x20x64xf32, #tpu.memory_space<hbm>> -> memref<20x64xf32, #tpu.memory_space<hbm>>
    %dma_wait3A_280 = arith.constant 0 : i32
    %dma_wait3A_281 = arith.constant 0 : i32
    %dma_wait3A_282 = tpu.memref_slice %arg6[%dma_wait3A_263, %dma_wait3A_280, %dma_wait3A_281] : memref<2x160x128xf32, #tpu.memory_space<vmem>> -> memref<1x20x64xf32, #tpu.memory_space<vmem>>
    %dma_wait3A_283 = tpu.memref_squeeze %dma_wait3A_282 : memref<1x20x64xf32, #tpu.memory_space<vmem>> -> memref<20x64xf32, #tpu.memory_space<vmem>>
    tpu.wait_dma2 semaphore(%dma_wait3A_275 : memref<!tpu.dma_semaphore, #tpu.memory_space<semaphore_mem>>) src(%dma_wait3A_283 : memref<20x64xf32, #tpu.memory_space<vmem>>) dst(%dma_wait3A_279 : memref<20x64xf32, #tpu.memory_space<hbm>>)
    %dma_wait3A_284 = arith.constant 1 : i32
    %dma_wait3A_285 = arith.constant 0 : i32
    %dma_wait3A_286 = arith.constant 1 : i32
    %dma_wait3A_287 = arith.constant 0 : i32
    %dma_wait3A_288 = arith.constant 0 : i32
    %dma_wait3A_289 = tpu.memref_slice %arg6[%dma_wait3A_284, %dma_wait3A_287, %dma_wait3A_288] : memref<2x160x128xf32, #tpu.memory_space<vmem>> -> memref<1x20x64xf32, #tpu.memory_space<vmem>>
    %dma_wait3A_290 = tpu.memref_squeeze %dma_wait3A_289 : memref<1x20x64xf32, #tpu.memory_space<vmem>> -> memref<20x64xf32, #tpu.memory_space<vmem>>
    %dma_wait3A_291 = arith.constant 0 : i32
    %dma_wait3A_292 = arith.constant 0 : i32
    %dma_wait3A_293 = tpu.memref_slice %arg4[%dma_wait3A_285, %dma_wait3A_291, %dma_wait3A_292] : memref<16384x20x64xf32, #tpu.memory_space<hbm>> -> memref<1x20x64xf32, #tpu.memory_space<hbm>>
    %dma_wait3A_294 = tpu.memref_squeeze %dma_wait3A_293 : memref<1x20x64xf32, #tpu.memory_space<hbm>> -> memref<20x64xf32, #tpu.memory_space<hbm>>
    %dma_wait3A_295 = tpu.memref_slice %arg8[%dma_wait3A_286] : memref<2x!tpu.dma_semaphore, #tpu.memory_space<semaphore_mem>> -> memref<1x!tpu.dma_semaphore, #tpu.memory_space<semaphore_mem>>
    %dma_wait3A_296 = tpu.memref_squeeze %dma_wait3A_295 : memref<1x!tpu.dma_semaphore, #tpu.memory_space<semaphore_mem>> -> memref<!tpu.dma_semaphore, #tpu.memory_space<semaphore_mem>>
    %dma_wait3A_297 = arith.constant 0 : i32
    %dma_wait3A_298 = arith.constant 0 : i32
    %dma_wait3A_299 = tpu.memref_slice %arg4[%dma_wait3A_285, %dma_wait3A_297, %dma_wait3A_298] : memref<16384x20x64xf32, #tpu.memory_space<hbm>> -> memref<1x20x64xf32, #tpu.memory_space<hbm>>
    %dma_wait3A_300 = tpu.memref_squeeze %dma_wait3A_299 : memref<1x20x64xf32, #tpu.memory_space<hbm>> -> memref<20x64xf32, #tpu.memory_space<hbm>>
    %dma_wait3A_301 = arith.constant 0 : i32
    %dma_wait3A_302 = arith.constant 0 : i32
    %dma_wait3A_303 = tpu.memref_slice %arg6[%dma_wait3A_284, %dma_wait3A_301, %dma_wait3A_302] : memref<2x160x128xf32, #tpu.memory_space<vmem>> -> memref<1x20x64xf32, #tpu.memory_space<vmem>>
    %dma_wait3A_304 = tpu.memref_squeeze %dma_wait3A_303 : memref<1x20x64xf32, #tpu.memory_space<vmem>> -> memref<20x64xf32, #tpu.memory_space<vmem>>
    tpu.wait_dma2 semaphore(%dma_wait3A_296 : memref<!tpu.dma_semaphore, #tpu.memory_space<semaphore_mem>>) src(%dma_wait3A_304 : memref<20x64xf32, #tpu.memory_space<vmem>>) dst(%dma_wait3A_300 : memref<20x64xf32, #tpu.memory_space<hbm>>)
    %dma_wait3A_305 = arith.constant 1 : i32
    %dma_wait3A_306 = arith.constant 0 : i32
    %dma_wait3A_307 = arith.constant 1 : i32
    %dma_wait3A_308 = arith.constant 0 : i32
    %dma_wait3A_309 = arith.constant 0 : i32
    %dma_wait3A_310 = tpu.memref_slice %arg6[%dma_wait3A_305, %dma_wait3A_308, %dma_wait3A_309] : memref<2x160x128xf32, #tpu.memory_space<vmem>> -> memref<1x20x64xf32, #tpu.memory_space<vmem>>
    %dma_wait3A_311 = tpu.memref_squeeze %dma_wait3A_310 : memref<1x20x64xf32, #tpu.memory_space<vmem>> -> memref<20x64xf32, #tpu.memory_space<vmem>>
    %dma_wait3A_312 = arith.constant 0 : i32
    %dma_wait3A_313 = arith.constant 0 : i32
    %dma_wait3A_314 = tpu.memref_slice %arg4[%dma_wait3A_306, %dma_wait3A_312, %dma_wait3A_313] : memref<16384x20x64xf32, #tpu.memory_space<hbm>> -> memref<1x20x64xf32, #tpu.memory_space<hbm>>
    %dma_wait3A_315 = tpu.memref_squeeze %dma_wait3A_314 : memref<1x20x64xf32, #tpu.memory_space<hbm>> -> memref<20x64xf32, #tpu.memory_space<hbm>>
    %dma_wait3A_316 = tpu.memref_slice %arg8[%dma_wait3A_307] : memref<2x!tpu.dma_semaphore, #tpu.memory_space<semaphore_mem>> -> memref<1x!tpu.dma_semaphore, #tpu.memory_space<semaphore_mem>>
    %dma_wait3A_317 = tpu.memref_squeeze %dma_wait3A_316 : memref<1x!tpu.dma_semaphore, #tpu.memory_space<semaphore_mem>> -> memref<!tpu.dma_semaphore, #tpu.memory_space<semaphore_mem>>
    %dma_wait3A_318 = arith.constant 0 : i32
    %dma_wait3A_319 = arith.constant 0 : i32
    %dma_wait3A_320 = tpu.memref_slice %arg4[%dma_wait3A_306, %dma_wait3A_318, %dma_wait3A_319] : memref<16384x20x64xf32, #tpu.memory_space<hbm>> -> memref<1x20x64xf32, #tpu.memory_space<hbm>>
    %dma_wait3A_321 = tpu.memref_squeeze %dma_wait3A_320 : memref<1x20x64xf32, #tpu.memory_space<hbm>> -> memref<20x64xf32, #tpu.memory_space<hbm>>
    %dma_wait3A_322 = arith.constant 0 : i32
    %dma_wait3A_323 = arith.constant 0 : i32
    %dma_wait3A_324 = tpu.memref_slice %arg6[%dma_wait3A_305, %dma_wait3A_322, %dma_wait3A_323] : memref<2x160x128xf32, #tpu.memory_space<vmem>> -> memref<1x20x64xf32, #tpu.memory_space<vmem>>
    %dma_wait3A_325 = tpu.memref_squeeze %dma_wait3A_324 : memref<1x20x64xf32, #tpu.memory_space<vmem>> -> memref<20x64xf32, #tpu.memory_space<vmem>>
    tpu.wait_dma2 semaphore(%dma_wait3A_317 : memref<!tpu.dma_semaphore, #tpu.memory_space<semaphore_mem>>) src(%dma_wait3A_325 : memref<20x64xf32, #tpu.memory_space<vmem>>) dst(%dma_wait3A_321 : memref<20x64xf32, #tpu.memory_space<hbm>>)
    %dma_wait3A_326 = arith.constant 1 : i32
    %dma_wait3A_327 = arith.constant 0 : i32
    %dma_wait3A_328 = arith.constant 1 : i32
    %dma_wait3A_329 = arith.constant 0 : i32
    %dma_wait3A_330 = arith.constant 0 : i32
    %dma_wait3A_331 = tpu.memref_slice %arg6[%dma_wait3A_326, %dma_wait3A_329, %dma_wait3A_330] : memref<2x160x128xf32, #tpu.memory_space<vmem>> -> memref<1x20x64xf32, #tpu.memory_space<vmem>>
    %dma_wait3A_332 = tpu.memref_squeeze %dma_wait3A_331 : memref<1x20x64xf32, #tpu.memory_space<vmem>> -> memref<20x64xf32, #tpu.memory_space<vmem>>
    %dma_wait3A_333 = arith.constant 0 : i32
    %dma_wait3A_334 = arith.constant 0 : i32
    %dma_wait3A_335 = tpu.memref_slice %arg4[%dma_wait3A_327, %dma_wait3A_333, %dma_wait3A_334] : memref<16384x20x64xf32, #tpu.memory_space<hbm>> -> memref<1x20x64xf32, #tpu.memory_space<hbm>>
    %dma_wait3A_336 = tpu.memref_squeeze %dma_wait3A_335 : memref<1x20x64xf32, #tpu.memory_space<hbm>> -> memref<20x64xf32, #tpu.memory_space<hbm>>
    %dma_wait3A_337 = tpu.memref_slice %arg8[%dma_wait3A_328] : memref<2x!tpu.dma_semaphore, #tpu.memory_space<semaphore_mem>> -> memref<1x!tpu.dma_semaphore, #tpu.memory_space<semaphore_mem>>
    %dma_wait3A_338 = tpu.memref_squeeze %dma_wait3A_337 : memref<1x!tpu.dma_semaphore, #tpu.memory_space<semaphore_mem>> -> memref<!tpu.dma_semaphore, #tpu.memory_space<semaphore_mem>>
    %dma_wait3A_339 = arith.constant 0 : i32
    %dma_wait3A_340 = arith.constant 0 : i32
    %dma_wait3A_341 = tpu.memref_slice %arg4[%dma_wait3A_327, %dma_wait3A_339, %dma_wait3A_340] : memref<16384x20x64xf32, #tpu.memory_space<hbm>> -> memref<1x20x64xf32, #tpu.memory_space<hbm>>
    %dma_wait3A_342 = tpu.memref_squeeze %dma_wait3A_341 : memref<1x20x64xf32, #tpu.memory_space<hbm>> -> memref<20x64xf32, #tpu.memory_space<hbm>>
    %dma_wait3A_343 = arith.constant 0 : i32
    %dma_wait3A_344 = arith.constant 0 : i32
    %dma_wait3A_345 = tpu.memref_slice %arg6[%dma_wait3A_326, %dma_wait3A_343, %dma_wait3A_344] : memref<2x160x128xf32, #tpu.memory_space<vmem>> -> memref<1x20x64xf32, #tpu.memory_space<vmem>>
    %dma_wait3A_346 = tpu.memref_squeeze %dma_wait3A_345 : memref<1x20x64xf32, #tpu.memory_space<vmem>> -> memref<20x64xf32, #tpu.memory_space<vmem>>
    tpu.wait_dma2 semaphore(%dma_wait3A_338 : memref<!tpu.dma_semaphore, #tpu.memory_space<semaphore_mem>>) src(%dma_wait3A_346 : memref<20x64xf32, #tpu.memory_space<vmem>>) dst(%dma_wait3A_342 : memref<20x64xf32, #tpu.memory_space<hbm>>)
    %dma_wait3A_347 = arith.constant 1 : i32
    %dma_wait3A_348 = arith.constant 0 : i32
    %dma_wait3A_349 = arith.constant 1 : i32
    %dma_wait3A_350 = arith.constant 0 : i32
    %dma_wait3A_351 = arith.constant 0 : i32
    %dma_wait3A_352 = tpu.memref_slice %arg6[%dma_wait3A_347, %dma_wait3A_350, %dma_wait3A_351] : memref<2x160x128xf32, #tpu.memory_space<vmem>> -> memref<1x20x64xf32, #tpu.memory_space<vmem>>
    %dma_wait3A_353 = tpu.memref_squeeze %dma_wait3A_352 : memref<1x20x64xf32, #tpu.memory_space<vmem>> -> memref<20x64xf32, #tpu.memory_space<vmem>>
    %dma_wait3A_354 = arith.constant 0 : i32
    %dma_wait3A_355 = arith.constant 0 : i32
    %dma_wait3A_356 = tpu.memref_slice %arg4[%dma_wait3A_348, %dma_wait3A_354, %dma_wait3A_355] : memref<16384x20x64xf32, #tpu.memory_space<hbm>> -> memref<1x20x64xf32, #tpu.memory_space<hbm>>
    %dma_wait3A_357 = tpu.memref_squeeze %dma_wait3A_356 : memref<1x20x64xf32, #tpu.memory_space<hbm>> -> memref<20x64xf32, #tpu.memory_space<hbm>>
    %dma_wait3A_358 = tpu.memref_slice %arg8[%dma_wait3A_349] : memref<2x!tpu.dma_semaphore, #tpu.memory_space<semaphore_mem>> -> memref<1x!tpu.dma_semaphore, #tpu.memory_space<semaphore_mem>>
    %dma_wait3A_359 = tpu.memref_squeeze %dma_wait3A_358 : memref<1x!tpu.dma_semaphore, #tpu.memory_space<semaphore_mem>> -> memref<!tpu.dma_semaphore, #tpu.memory_space<semaphore_mem>>
    %dma_wait3A_360 = arith.constant 0 : i32
    %dma_wait3A_361 = arith.constant 0 : i32
    %dma_wait3A_362 = tpu.memref_slice %arg4[%dma_wait3A_348, %dma_wait3A_360, %dma_wait3A_361] : memref<16384x20x64xf32, #tpu.memory_space<hbm>> -> memref<1x20x64xf32, #tpu.memory_space<hbm>>
    %dma_wait3A_363 = tpu.memref_squeeze %dma_wait3A_362 : memref<1x20x64xf32, #tpu.memory_space<hbm>> -> memref<20x64xf32, #tpu.memory_space<hbm>>
    %dma_wait3A_364 = arith.constant 0 : i32
    %dma_wait3A_365 = arith.constant 0 : i32
    %dma_wait3A_366 = tpu.memref_slice %arg6[%dma_wait3A_347, %dma_wait3A_364, %dma_wait3A_365] : memref<2x160x128xf32, #tpu.memory_space<vmem>> -> memref<1x20x64xf32, #tpu.memory_space<vmem>>
    %dma_wait3A_367 = tpu.memref_squeeze %dma_wait3A_366 : memref<1x20x64xf32, #tpu.memory_space<vmem>> -> memref<20x64xf32, #tpu.memory_space<vmem>>
    tpu.wait_dma2 semaphore(%dma_wait3A_359 : memref<!tpu.dma_semaphore, #tpu.memory_space<semaphore_mem>>) src(%dma_wait3A_367 : memref<20x64xf32, #tpu.memory_space<vmem>>) dst(%dma_wait3A_363 : memref<20x64xf32, #tpu.memory_space<hbm>>)
    return
  }
}

</mosaic_0001>

<sc_bundles>
// kernel: kernel.3.cloned.1.call-start
scs
__scs_entry_jumppad:
0x0: {  	(pc) =	sbr.rel $0x88, $3  }
0x1: {  	(tag) =	ssettag $0x0;
	lr =	simm.s32 $0x1  }
0x2: {  	[smem:$0x3F9F] =	sst lr;
	_ =	strace $0xD0000000  }
0x3: {  	_ = 	snop  }
0x4: {  	_ = 	snop  }
0x5: {  	_ = 	snop  }
0x6: {  	_ = 	snop  }
0x7: {  	_ = 	snop  }
__scs_overlays_trampoline_lowered:
0x8: {  	[smem:$0x3FAE] =	sst s0  }
0x9: {  	[smem:$0x3FAF] =	sst s1  }
0xa: {  	[smem:$0x3FB0] =	sst s2  }
0xb: {  	[smem:$0x3FB1] =	sst s3  }
0xc: {  	[smem:$0x3FB2] =	sst s4  }
0xd: {  	[smem:$0x3FB3] =	sst s5  }
0xe: {  	[smem:$0x3FB4] =	sst s6  }
0xf: {  	[smem:$0x3FB5] =	sst s7  }
0x10: {  	[smem:$0x3FB6] =	sst s8  }
0x11: {  	[smem:$0x3FB7] =	sst s9;
	s0 =	simm.s32 @!p0 $0x0  }
0x12: {  	s1 =	sld [smem:$0x3F9D];
	s0 =	simm.s32 @p0 $0x1  }
0x13: {  	[smem:$0x3FB8] =	sst s0;
	s0 =	simm.s32 @!p1 $0x0  }
0x14: {  	s2 =	sld [smem:$0x3F9C];
	s0 =	simm.s32 @p1 $0x1  }
0x15: {  	[smem:$0x3FB9] =	sst s0;
	s0 =	simm.s32 @!p2 $0x0  }
0x16: {  	s3 =	sld [smem:$0x3FDB];
	s0 =	simm.s32 @p2 $0x1  }
0x17: {  	s4 =	simm.s32 $0x1BF5;
	[smem:$0x3FBB] =	sst s0  }
0x18: {  	s0 =	sld [smem:$0x3F9E];
	_ =	swait.ge [sflag:s4], $0x0  }
0x19: {  	s7 =	sld [smem:$0x3F9F]  }
0x1a: {  	s8 =	sadd.s32 $0xFFFFE003, lr  }
0x1b: {  	s9 =	sadd.s32 $0xFFFFFEF7, lr;
	s5 =	simm.s32 $0xFFFFFFFF;
	p2 =	slt.u32 s8, $0xFFFFF086  }
0x1c: {  	p1 =	slt.u32 s9, $0xF7A;
	s5 =	simm.s32 @!p2 $0x0  }
0x1d: {  	s5 =	simm.s32 @p1 $0x1;
	p0 =	seq.s32 s7, s2  }
0x1e: {  	s7 =	smul.u32 @!p0 $0xF7A, s2;
	p2 =	seq.s32 @!p0 s5, $0x0  }
0x1f: {  	s9 =	smul.u32 $0xF7A, s1;
	s8 =	simm.s32 @!p0 $0x1BF5;
	p2 =	por !p2, p0  }
0x20: {  	[sflag:s8] =	ssyncset.s32 @!p0 $0xFFFFF086;
	s6 =	sadd.s32 @!p0 s3, s7;
	s7 =	simm.s32 @!p0 $0x108  }
0x21: {  	s3 =	sadd.s32 s3, s9;
	s6 =	sadd.s32 @!p0 $0x88, s6;
	s7 =	simm.s32 @p2 $0x1082  }
0x22: {  	[simem:s7], [sflag:s8] =	dma.local @!p0 [hbm:s6], $0xF7A  }
0x23: {  	s9 =	sor.u32 $0xD0000000, s2;
	s6 =	simm.s32 $0x108;
	_ =	swait.ge @!p0 [sflag:s8], $0x0  }
0x24: {  	s3 =	sadd.s32 $0x88, s3;
	s6 =	simm.s32 @!p1 $0x1082;
	[sflag:s4] =	ssyncset.s32 $0xFFFFF086  }
0x25: {  	[simem:s6], [sflag:s4] =	dma.local [hbm:s3], $0xF7A  }
0x26: {  	[smem:$0x3F9F] =	sst s1;
	(tag) =	ssettag s2;
	_ =	strace s9  }
0x27: {  	s1 =	sld [smem:$0x3FAF]  }
0x28: {  	s2 =	sld [smem:$0x3FB0]  }
0x29: {  	s4 =	sld [smem:$0x3FB2]  }
0x2a: {  	p0 =	seq.s32 s5, $0x0;
	s5 =	sld [smem:$0x3FB3]  }
0x2b: {  	s6 =	sld [smem:$0x3FB4]  }
0x2c: {  	s7 =	sld [smem:$0x3FB5]  }
0x2d: {  	s3 =	simm.s32 $0x108;
	s8 =	sld [smem:$0x3FB6]  }
0x2e: {  	s3 =	simm.s32 @!p0 $0x1082;
	s9 =	sld [smem:$0x3FB7]  }
0x2f: {  	lr =	sadd.s32 s0, s3;
	s0 =	sld [smem:$0x3FAE]  }
0x30: {  	s3 =	sld [smem:$0x3FB1]  }
0x31: {  	[smem:$0x3FBA] =	sst s10  }
0x32: {  	s10 =	sld [smem:$0x3FB8];
	_ =	sdelay $0x3  }
0x33: {  	p0 =	seq.s32 s10, $0x1;
	s10 =	sld [smem:$0x3FBA];
	_ =	sdelay $0x3  }
0x34: {  	[smem:$0x3FBA] =	sst s10  }
0x35: {  	s10 =	sld [smem:$0x3FB9];
	_ =	sdelay $0x3  }
0x36: {  	p1 =	seq.s32 s10, $0x1;
	s10 =	sld [smem:$0x3FBA];
	_ =	sdelay $0x3  }
0x37: {  	[smem:$0x3FBA] =	sst s10  }
0x38: {  	s10 =	sld [smem:$0x3FBB]  }
0x39: {  	_ = 	snop;
	(pc) =	sbr.ind lr, $3  }
0x3a: {  	_ = 	snop  }
0x3b: {  	_ = 	snop  }
0x3c: {  	p2 =	seq.s32 s10, $0x1;
	s10 =	sld [smem:$0x3FBA]  }
0x3d: {  	_ =	shalt  }
0x3e: {  	_ =	shalt  }
0x3f: {  	_ =	shalt  }
0x40: {  	_ =	shalt  }
0x41: {  	_ =	shalt  }
0x42: {  	_ =	shalt  }
0x43: {  	_ =	shalt  }
0x44: {  	_ =	shalt  }
0x45: {  	_ =	shalt  }
0x46: {  	_ =	shalt  }
0x47: {  	_ =	shalt  }
0x48: {  	_ =	shalt  }
0x49: {  	_ =	shalt  }
0x4a: {  	_ =	shalt  }
0x4b: {  	_ =	shalt  }
0x4c: {  	_ =	shalt  }
0x4d: {  	_ =	shalt  }
0x4e: {  	_ =	shalt  }
0x4f: {  	_ =	shalt  }
0x50: {  	_ =	shalt  }
0x51: {  	_ =	shalt  }
0x52: {  	_ =	shalt  }
0x53: {  	_ =	shalt  }
0x54: {  	_ =	shalt  }
0x55: {  	_ =	shalt  }
0x56: {  	_ =	shalt  }
0x57: {  	_ =	shalt  }
0x58: {  	_ =	shalt  }
0x59: {  	_ =	shalt  }
0x5a: {  	_ =	shalt  }
0x5b: {  	_ =	shalt  }
0x5c: {  	_ =	shalt  }
0x5d: {  	_ =	shalt  }
0x5e: {  	_ =	shalt  }
0x5f: {  	_ =	shalt  }
0x60: {  	_ =	shalt  }
0x61: {  	_ =	shalt  }
0x62: {  	_ =	shalt  }
0x63: {  	_ =	shalt  }
0x64: {  	_ =	shalt  }
0x65: {  	_ =	shalt  }
0x66: {  	_ =	shalt  }
0x67: {  	_ =	shalt  }
0x68: {  	_ =	shalt  }
0x69: {  	_ =	shalt  }
0x6a: {  	_ =	shalt  }
0x6b: {  	_ =	shalt  }
0x6c: {  	_ =	shalt  }
0x6d: {  	_ =	shalt  }
0x6e: {  	_ =	shalt  }
0x6f: {  	_ =	shalt  }
0x70: {  	_ =	shalt  }
0x71: {  	_ =	shalt  }
0x72: {  	_ =	shalt  }
0x73: {  	_ =	shalt  }
0x74: {  	_ =	shalt  }
0x75: {  	_ =	shalt  }
0x76: {  	_ =	shalt  }
0x77: {  	_ =	shalt  }
0x78: {  	_ =	shalt  }
0x79: {  	_ =	shalt  }
0x7a: {  	_ =	shalt  }
0x7b: {  	_ =	shalt  }
0x7c: {  	_ =	shalt  }
0x7d: {  	_ =	shalt  }
0x7e: {  	_ =	shalt  }
0x7f: {  	_ =	shalt  }
0x80: {  	_ =	shalt  }
0x81: {  	_ =	shalt  }
0x82: {  	_ =	shalt  }
0x83: {  	_ =	shalt  }
0x84: {  	_ =	shalt  }
0x85: {  	_ =	shalt  }
0x86: {  	_ =	shalt  }
0x87: {  	_ =	shalt  }
.Lfunc_end0:
.L_simem_size_0:
called_computation.1_lowered:
.L_overlay_start_0:
0x88: {  	s2 =	sld [smem:$0x3FD9]  }
0x89: {  	s3 =	sld [smem:$0x3FFE];
	_ =	sdelay $0x1  }
0x8a: {  	s1 =	srdreg.scid  }
0x8b: {  	s0 =	sand.u32 $0x1, s1  }
0x8c: {  	s17 =	sshll.u32 s0, $0xA;
	s2 =	sadd.s32 s3, s2  }
0x8d: {  	s2 =	sadd.s32 s2, s17  }
0x8e: {  	[smem:$0x3FC6] =	sst s2  }
0x8f: {  	_ = 	snop  }
0x90: {  	s2 =	sld [smem:$0x3FD0];
	(tm) =	ssettm $0x1  }
0x91: {  	s18 =	sld [smem:$0x3FFB];
	_ =	sdelay $0x3  }
0x92: {  	_ =	strace s18  }
0x93: {  	s3 =	sld [smem:$0x3FFC];
	_ =	sdelay $0x3  }
0x94: {  	_ =	strace s3  }
0x95: {  	s3 =	sld [smem:$0x3FFD];
	_ =	sdelay $0x3  }
0x96: {  	_ =	strace s3  }
0x97: {  	_ =	strace $0x8FFFFFFF  }
0x98: {  	s19 =	sld [smem:$0x3FDB];
	_ =	sdelay $0x1  }
0x99: {  	s4 =	simm.s32 $_scs_section_size  }
0x9a: {  	s5 =	simm.s32 $_size__tile_overlayer_lowered;
	s6 =	simm.s32 $_tile_overlayer_lowered  }
0x9b: {  	s22 =	simm.s32 $0x1BFF;
	s21 =	sshll.u32 s6, $0x1;
	s3 =	sadd.s32 s4, s19  }
0x9c: {  	s7 =	simm.s32 $0x0;
	s20 =	sshll.u32 s5, $0x1;
	s5 =	sadd.s32 s21, s3  }
0x9d: {  	[timem:s7], [sflag:s22] =	dma.local [hbm:s5], s20  }
0x9e: {  	_ =	swait.ge [sflag:s22], s20  }
0x9f: {  	s4 =	ssub.s32 $0x0, s20;
	[sflag:s22] =	ssyncset.done $0x0  }
0xa0: {  	[sflag:s22] =	ssyncadd.s32 s4;
	_ =	sdelay $0x1  }
0xa1: {  	s23 =	simm.s32 $0x1B8B  }
0xa2: {  	_ =	swait.ge [sflag:s23], $0x1  }
0xa3: {  	[sflag:s23] =	ssyncset.done $0x0  }
0xa4: {  	s25 =	simm.s32 $0x1B8E;
	s24 =	sld [smem:$0x3FFE];
	[sflag:s23] =	ssyncadd.s32 $0xFFFFFFFF  }
0xa5: {  	s26 =	simm.s32 $execute0_lowered;
	[smem:$0x3FD2] =	sst s25  }
0xa6: {  	s5 =	sshll.u32 s26, $0x1;
	_ =	strace $0x80000046;
	[dreg:$0x1] =	wrdreg $0xFFFFFFFF  }
0xa7: {  	s28 =	simm.s32 $_size_execute0_lowered;
	s3 =	sadd.s32 s3, s5;
	[dreg:$0x0] =	wrdreg $0x0  }
0xa8: {  	s5 =	sshll.u32 s28, $0x1;
	[dreg:$0x2] =	wrdreg s3  }
0xa9: {  	[dreg:$0x3] =	wrdreg s5  }
0xaa: {  	[dreg:$0x4] =	wrdreg $0xC0  }
0xab: {  	_ =	task [dreg:s7], $0x5FFFF  }
0xac: {  	[dreg:$0x1] =	wrdreg $0xFFFFFFFF  }
0xad: {  	[dreg:$0x0] =	wrdreg $0x60  }
0xae: {  	[dreg:$0x2] =	wrdreg s24  }
0xaf: {  	[dreg:$0x3] =	wrdreg s2  }
0xb0: {  	[dreg:$0x4] =	wrdreg $0x9  }
0xb1: {  	_ =	task.clear_ibuf [dreg:s7], $0x5FFFF;
	_ =	strace $0x90000046  }
0xb2: {  	s29 =	simm.s32 $0x9;
	_ =	strace $0x80000048  }
0xb3: {  	_ =	swait.ge [sflag:s29], $0x1  }
0xb4: {  	[sflag:s29] =	ssyncadd.s32 $0xFFFFFFFF  }
0xb5: {  	_ =	strace $0x90000048  }
0xb6: {  	_ =	sfence  }
0xb7: {  	s30 =	sld [smem:$0x0];
	_ =	sdelay $0x2  }
0xb8: {  	s31 =	sshll.u32 s1, $0xD;
	s1 =	sshrl.u32 s1, $0x2  }
0xb9: {  	s3 =	sand.u32 $0x4000, s31;
	s1 =	sadd.s32 s1, s30  }
0xba: {  	s0 =	sor.u32 s3, s0;
	s1 =	sshll.u32 s1, $0x11  }
0xbb: {  	s0 =	sor.u32 s1, s0  }
0xbc: {  	s0 =	sadd.s32 $0x8F2B, s0  }
0xbd: {  	[sflag:s0] =	ssyncadd.remote.s32 $0x1  }
0xbe: {  	_ =	sfence.sel $0xFFFF  }
0xbf: {  	[dreg:$0x0] =	wrdreg $0xFFFFFFFF;
	(pc) =	sbr.abs _section_cstart, $3  }
0xc0: {  	[dreg:$0x1] =	wrdreg $0xFFFFFFFF  }
0xc1: {  	_ =	task.clear_ibuf [dreg:s7], $0x2FFFF;
	_ =	strace $0x9FFFFFFF  }
0xc2: {  	(tm) =	ssettm $0x7FFFFFFF  }
0xc3: {  	_ =	shalt  }
tec
execute0_lowered:
.L_overlay_start_1:
0x0: {  	(tag) =	ssettag $0x1  }
0x1: {  	s4 =	rddreg [dreg:$0x0];
	s1 =	srdreg.scid  }
0x2: {  	s0 =	stileid.u32;
	s2 =	rddreg [dreg:$0x1]  }
0x3: {  	s3 =	simm.s32 $0x0;
	s11 =	simm.s32 $0x5;
	s12 =	simm.s32 $0x50  }
0x4: {  	s13 =	simm.s32 $0x2800;
	s14 =	simm.s32 $0x5000;
	s15 =	simm.s32 $0x7800  }
0x5: {  	s16 =	simm.s32 $0xA000;
	s17 =	simm.s32 $0x1;
	s18 =	simm.s32 $0x2  }
0x6: {  	s19 =	simm.s32 $0x4;
	s20 =	simm.s32 $0x3;
	s21 =	simm.s32 $0x0  }
0x7: {  	s5 =	sand.u32 $0x1, s1;
	s6 =	sshll.u32 s0, $0x1;
	s1 =	rddreg [dreg:$0x2]  }
0x8: {  	[smem:$0x7FF] =	sst s3;
	s6 =	sor.u32 s5, s6;
	s5 =	ssub.s32 $0x2, s5  }
0x9: {  	s9 =	sadd.s32 $0x1E0, s2;
	s7 =	smul.u32 $0x500, s6;
	s8 =	sshrl.u32 s5, $0x1  }
0xa: {  	_ =	strace $0x80000047;
	s6 =	sshll.u32 s6, $0x9;
	s10 =	ssub.s32 s5, s8  }
0xb: {  	s8 =	sadd.s32 $0x140, s2;
	s7 =	sadd.s32 s7, s4;
	s4 =	sadd.s32 $0xF4CE00, s4  }
0xc: {  	s10 =	smax.u32 s10, $0x1;
	s5 =	sadd.s32 $0xF42E00, s7;
	s7 =	sadd.s32 $0xA0, s2  }
.LBB2_1:
0xd: {  	[tilespmem:s3], [sflag:$0x5] =	stream.linear.gather [hbm4b:s5+s3], $0x2800, $0x38;
	[tilespmem:$0xC800] =	vst v63  }
0xe: {  	_ =	swait.ge [sflag:s11], $0x2800  }
0xf: {  	[sflag:s11] =	ssyncset.done $0x0  }
0x10: {  	[sflag:s11] =	ssyncadd.s32 $0xFFFFD800  }
0x11: {  	[tilespmem:s13], [sflag:$0x1] =	stream.indirect.gather [hbm4b:s4+s12], $0x80, s3, s12, $0xb8;
	[tilespmem:$0xC800] =	vst v63  }
0x12: {  	s22 =	simm.s32 $0x0  }
0x13: {  	[tilespmem:s14], [sflag:$0x1] =	stream.indirect.gather [hbm4b:s4+s12], $0x80, s12, s12, $0xb8;
	[tilespmem:$0xC800] =	vst v63  }
.LBB2_2:
0x14: {  	s23 =	sshllo.u32 s22, $0x1  }
0x15: {  	s24 =	smul.u32 $0x280, s23;
	_ =	sdelay $0x1  }
0x16: {  	s24 =	sshra.s32 s24, $0x2  }
0x17: {  	[tilespmem:s15], [sflag:$0x2] =	stream.indirect.gather [hbm4b:s4+s12], $0x80, s24, s12, $0xb8;
	[tilespmem:$0xC800] =	vst v63  }
0x18: {  	s24 =	sadd.s32 $0x50, s24  }
0x19: {  	[tilespmem:s16], [sflag:$0x2] =	stream.indirect.gather [hbm4b:s4+s12], $0x80, s24, s12, $0xb8;
	[tilespmem:$0xC800] =	vst v63  }
0x1a: {  	_ =	swait.ge [sflag:s17], $0x5000  }
0x1b: {  	p0 =	seq.s32 s22, $0x0;
	[sflag:s17] =	ssyncset.done $0x0  }
0x1c: {  	s26 =	simm.s32 @!p0 $0x3;
	[sflag:s17] =	ssyncadd.s32 $0xFFFFB000  }
0x1d: {  	_ =	swait.ge @!p0 [sflag:s26], $0x500  }
0x1e: {  	[sflag:s26] =	ssyncset.done @!p0 $0x0  }
0x1f: {  	[sflag:s26] =	ssyncadd.s32 @!p0 $0xFFFFFB00  }
0x20: {  	_ =	swait.ge @!p0 [sflag:s26], $0x500  }
0x21: {  	[sflag:s26] =	ssyncset.done @!p0 $0x0  }
0x22: {  	[sflag:s26] =	ssyncadd.s32 @!p0 $0xFFFFFB00  }
0x23: {  	_ =	swait.ge @!p0 [sflag:s26], $0x500  }
0x24: {  	[sflag:s26] =	ssyncset.done @!p0 $0x0  }
0x25: {  	[sflag:s26] =	ssyncadd.s32 @!p0 $0xFFFFFB00  }
0x26: {  	_ =	swait.ge @!p0 [sflag:s26], $0x500  }
0x27: {  	[sflag:s26] =	ssyncset.done @!p0 $0x0  }
0x28: {  	[sflag:s26] =	ssyncadd.s32 @!p0 $0xFFFFFB00  }
0x29: {  	_ =	swait.ge @!p0 [sflag:s26], $0x500  }
0x2a: {  	[sflag:s26] =	ssyncset.done @!p0 $0x0  }
0x2b: {  	[sflag:s26] =	ssyncadd.s32 @!p0 $0xFFFFFB00  }
0x2c: {  	_ =	swait.ge @!p0 [sflag:s26], $0x500  }
0x2d: {  	[sflag:s26] =	ssyncset.done @!p0 $0x0  }
0x2e: {  	[sflag:s26] =	ssyncadd.s32 @!p0 $0xFFFFFB00  }
0x2f: {  	_ =	swait.ge @!p0 [sflag:s26], $0x500  }
0x30: {  	s25 =	sshll.u32 s22, $0x4;
	[sflag:s26] =	ssyncset.done @!p0 $0x0  }
0x31: {  	s24 =	sadd.s32 s6, s25;
	[sflag:s26] =	ssyncadd.s32 @!p0 $0xFFFFFB00  }
0x32: {  	s25 =	smul.u32 $0xA0, s24;
	_ =	swait.ge @!p0 [sflag:s26], $0x500  }
0x33: {  	[sflag:s26] =	ssyncset.done @!p0 $0x0  }
0x34: {  	s28 =	simm.s32 $0x2800;
	[sflag:s26] =	ssyncadd.s32 @!p0 $0xFFFFFB00;
	s26 =	sadd.s32 s2, s25  }
0x35: {  	s29 =	simm.s32 $0x8;
	s30 =	simm.s32 $0x2880;
	s31 =	sadd.s32 $0x0, s26  }
.LBB2_3:
0x36: {  	[hbm4b:s31+s3] =	stream.linear.scatter [tilespmem:s28], [sflag:$0x3], $0x40, $0x38;
	[tilespmem:$0xC800] =	vst v63  }
0x37: {  	s31 =	smov.u32 s29;
	s28 =	smov.u32 s30;
	p1 =	sne.s32 s29, $0x98  }
.Ltmp0:
0x38: {  	s29 =	sadd.s32 $0x8, s29;
	(pc) =	sbr.rel @p1 .LBB2_3-.Ltmp0, $2  }
0x39: {  	_ =	sdelay $0x2  }
0x3a: {  	s30 =	sadd.s32 $0x80, s30;
	s31 =	sadd.s32 s31, s26  }
0x3b: {  	[hbm4b:s31+s3] =	stream.linear.scatter [tilespmem:s28], [sflag:$0x3], $0x40, $0x38;
	[tilespmem:$0xC800] =	vst v63  }
0x3c: {  	s26 =	sadd.s32 s25, s7;
	s28 =	simm.s32 $0x3200  }
0x3d: {  	s29 =	simm.s32 $0x8;
	s30 =	simm.s32 $0x3280;
	s31 =	sadd.s32 $0x0, s26  }
.LBB2_5:
0x3e: {  	[hbm4b:s31+s3] =	stream.linear.scatter [tilespmem:s28], [sflag:$0x3], $0x40, $0x38;
	[tilespmem:$0xC800] =	vst v63  }
0x3f: {  	s31 =	smov.u32 s29;
	s28 =	smov.u32 s30;
	p1 =	sne.s32 s29, $0x98  }
.Ltmp1:
0x40: {  	s29 =	sadd.s32 $0x8, s29;
	(pc) =	sbr.rel @p1 .LBB2_5-.Ltmp1, $2  }
0x41: {  	_ =	sdelay $0x2  }
0x42: {  	s30 =	sadd.s32 $0x80, s30;
	s31 =	sadd.s32 s31, s26  }
0x43: {  	[hbm4b:s31+s3] =	stream.linear.scatter [tilespmem:s28], [sflag:$0x3], $0x40, $0x38;
	[tilespmem:$0xC800] =	vst v63  }
0x44: {  	s26 =	sadd.s32 s25, s8;
	s28 =	simm.s32 $0x3C00  }
0x45: {  	s29 =	simm.s32 $0x8;
	s30 =	simm.s32 $0x3C80;
	s31 =	sadd.s32 $0x0, s26  }
.LBB2_7:
0x46: {  	[hbm4b:s31+s3] =	stream.linear.scatter [tilespmem:s28], [sflag:$0x3], $0x40, $0x38;
	[tilespmem:$0xC800] =	vst v63  }
0x47: {  	s31 =	smov.u32 s29;
	s28 =	smov.u32 s30;
	p1 =	sne.s32 s29, $0x98  }
.Ltmp2:
0x48: {  	s29 =	sadd.s32 $0x8, s29;
	(pc) =	sbr.rel @p1 .LBB2_7-.Ltmp2, $2  }
0x49: {  	_ =	sdelay $0x2  }
0x4a: {  	s30 =	sadd.s32 $0x80, s30;
	s31 =	sadd.s32 s31, s26  }
0x4b: {  	[hbm4b:s31+s3] =	stream.linear.scatter [tilespmem:s28], [sflag:$0x3], $0x40, $0x38;
	[tilespmem:$0xC800] =	vst v63  }
0x4c: {  	s25 =	sadd.s32 s25, s9;
	s26 =	simm.s32 $0x4600  }
0x4d: {  	s28 =	simm.s32 $0x8;
	s29 =	simm.s32 $0x4680;
	s30 =	sadd.s32 $0x0, s25  }
.LBB2_9:
0x4e: {  	[hbm4b:s30+s3] =	stream.linear.scatter [tilespmem:s26], [sflag:$0x3], $0x40, $0x38;
	[tilespmem:$0xC800] =	vst v63  }
0x4f: {  	s30 =	smov.u32 s28;
	s26 =	smov.u32 s29;
	p1 =	sne.s32 s28, $0x98  }
.Ltmp3:
0x50: {  	s28 =	sadd.s32 $0x8, s28;
	(pc) =	sbr.rel @p1 .LBB2_9-.Ltmp3, $2  }
0x51: {  	_ =	sdelay $0x2  }
0x52: {  	s29 =	sadd.s32 $0x80, s29;
	s30 =	sadd.s32 s30, s25  }
0x53: {  	s24 =	smul.u32 $0x500, s24  }
0x54: {  	[hbm4b:s30+s3] =	stream.linear.scatter [tilespmem:s26], [sflag:$0x3], $0x40, $0x38;
	[tilespmem:$0xC800] =	vst v63  }
0x55: {  	s24 =	sshrl.u32 s24, $0x3  }
0x56: {  	s24 =	sadd.s32 s2, s24  }
0x57: {  	s26 =	simm.s32 $0x5000;
	s25 =	sadd.s32 $0x280, s24  }
0x58: {  	s28 =	simm.s32 $0x8;
	s29 =	simm.s32 $0x5080;
	s30 =	sadd.s32 $0x0, s25  }
.LBB2_11:
0x59: {  	[hbm4b:s30+s3] =	stream.linear.scatter [tilespmem:s26], [sflag:$0x3], $0x40, $0x38;
	[tilespmem:$0xC800] =	vst v63  }
0x5a: {  	s30 =	smov.u32 s28;
	s26 =	smov.u32 s29;
	p1 =	sne.s32 s28, $0x98  }
.Ltmp4:
0x5b: {  	s28 =	sadd.s32 $0x8, s28;
	(pc) =	sbr.rel @p1 .LBB2_11-.Ltmp4, $2  }
0x5c: {  	_ =	sdelay $0x2  }
0x5d: {  	s29 =	sadd.s32 $0x80, s29;
	s30 =	sadd.s32 s30, s25  }
0x5e: {  	[hbm4b:s30+s3] =	stream.linear.scatter [tilespmem:s26], [sflag:$0x3], $0x40, $0x38;
	[tilespmem:$0xC800] =	vst v63  }
0x5f: {  	s25 =	sadd.s32 $0x320, s24;
	s26 =	simm.s32 $0x5A00  }
0x60: {  	s28 =	simm.s32 $0x8;
	s29 =	simm.s32 $0x5A80;
	s30 =	sadd.s32 $0x0, s25  }
.LBB2_13:
0x61: {  	[hbm4b:s30+s3] =	stream.linear.scatter [tilespmem:s26], [sflag:$0x3], $0x40, $0x38;
	[tilespmem:$0xC800] =	vst v63  }
0x62: {  	s30 =	smov.u32 s28;
	s26 =	smov.u32 s29;
	p1 =	sne.s32 s28, $0x98  }
.Ltmp5:
0x63: {  	s28 =	sadd.s32 $0x8, s28;
	(pc) =	sbr.rel @p1 .LBB2_13-.Ltmp5, $2  }
0x64: {  	_ =	sdelay $0x2  }
0x65: {  	s29 =	sadd.s32 $0x80, s29;
	s30 =	sadd.s32 s30, s25  }
0x66: {  	[hbm4b:s30+s3] =	stream.linear.scatter [tilespmem:s26], [sflag:$0x3], $0x40, $0x38;
	[tilespmem:$0xC800] =	vst v63  }
0x67: {  	s25 =	sadd.s32 $0x3C0, s24;
	s26 =	simm.s32 $0x6400  }
0x68: {  	s28 =	simm.s32 $0x8;
	s29 =	simm.s32 $0x6480;
	s30 =	sadd.s32 $0x0, s25  }
.LBB2_15:
0x69: {  	[hbm4b:s30+s3] =	stream.linear.scatter [tilespmem:s26], [sflag:$0x3], $0x40, $0x38;
	[tilespmem:$0xC800] =	vst v63  }
0x6a: {  	s30 =	smov.u32 s28;
	s26 =	smov.u32 s29;
	p1 =	sne.s32 s28, $0x98  }
.Ltmp6:
0x6b: {  	s28 =	sadd.s32 $0x8, s28;
	(pc) =	sbr.rel @p1 .LBB2_15-.Ltmp6, $2  }
0x6c: {  	_ =	sdelay $0x2  }
0x6d: {  	s29 =	sadd.s32 $0x80, s29;
	s30 =	sadd.s32 s30, s25  }
0x6e: {  	[hbm4b:s30+s3] =	stream.linear.scatter [tilespmem:s26], [sflag:$0x3], $0x40, $0x38;
	[tilespmem:$0xC800] =	vst v63  }
0x6f: {  	s24 =	sadd.s32 $0x460, s24;
	s25 =	simm.s32 $0x6E00  }
0x70: {  	s26 =	simm.s32 $0x8;
	s28 =	simm.s32 $0x6E80;
	s29 =	sadd.s32 $0x0, s24  }
.LBB2_17:
0x71: {  	[hbm4b:s29+s3] =	stream.linear.scatter [tilespmem:s25], [sflag:$0x3], $0x40, $0x38;
	[tilespmem:$0xC800] =	vst v63  }
0x72: {  	s29 =	smov.u32 s26;
	s25 =	smov.u32 s28;
	p1 =	sne.s32 s26, $0x98  }
.Ltmp7:
0x73: {  	s26 =	sadd.s32 $0x8, s26;
	(pc) =	sbr.rel @p1 .LBB2_17-.Ltmp7, $2  }
0x74: {  	_ =	sdelay $0x2  }
0x75: {  	s28 =	sadd.s32 $0x80, s28;
	s29 =	sadd.s32 s29, s24  }
0x76: {  	p1 =	sne.s32 s22, $0x1F  }
.Ltmp8:
0x77: {  	_ = 	snop;
	(pc) =	sbr.rel @p1 .LBB2_20-.Ltmp8, $2  }
0x78: {  	_ =	sdelay $0x2  }
0x79: {  	[hbm4b:s29+s3] =	stream.linear.scatter [tilespmem:s25], [sflag:$0x3], $0x40, $0x38;
	[tilespmem:$0xC800] =	vst v63  }
.Ltmp9:
0x7a: {  	(pc) =	sbr.rel .LBB2_21-.Ltmp9, $4  }
0x7b: {  	_ = 	snop  }
0x7c: {  	_ =	swait.ge [sflag:s18], $0x5000  }
0x7d: {  	[sflag:s18] =	ssyncset.done $0x0  }
0x7e: {  	[sflag:s18] =	ssyncadd.s32 $0xFFFFB000  }
.LBB2_20:
0x7f: {  	s24 =	smul.u32 $0x500, s22;
	_ =	sdelay $0x1  }
0x80: {  	s24 =	sshra.s32 s24, $0x2  }
0x81: {  	s25 =	sadd.s32 $0x140, s24  }
0x82: {  	[tilespmem:s13], [sflag:$0x1] =	stream.indirect.gather [hbm4b:s4+s12], $0x80, s25, s12, $0xb8;
	[tilespmem:$0xC800] =	vst v63  }
.Ltmp10:
0x83: {  	s24 =	sadd.s32 $0x190, s24;
	(pc) =	sbr.rel @p0 .LBB2_22-.Ltmp10, $4  }
0x84: {  	[tilespmem:s14], [sflag:$0x1] =	stream.indirect.gather [hbm4b:s4+s12], $0x80, s24, s12, $0xb8;
	[tilespmem:$0xC800] =	vst v63  }
0x85: {  	_ =	swait.ge [sflag:s18], $0x5000  }
0x86: {  	[sflag:s18] =	ssyncset.done $0x0  }
0x87: {  	[sflag:s18] =	ssyncadd.s32 $0xFFFFB000  }
.LBB2_21:
0x88: {  	_ =	swait.ge [sflag:s19], $0x500  }
0x89: {  	[sflag:s19] =	ssyncset.done $0x0  }
0x8a: {  	[sflag:s19] =	ssyncadd.s32 $0xFFFFFB00  }
0x8b: {  	_ =	swait.ge [sflag:s19], $0x500  }
0x8c: {  	[sflag:s19] =	ssyncset.done $0x0  }
0x8d: {  	[sflag:s19] =	ssyncadd.s32 $0xFFFFFB00  }
0x8e: {  	_ =	swait.ge [sflag:s19], $0x500  }
0x8f: {  	[sflag:s19] =	ssyncset.done $0x0  }
0x90: {  	[sflag:s19] =	ssyncadd.s32 $0xFFFFFB00  }
0x91: {  	_ =	swait.ge [sflag:s19], $0x500  }
0x92: {  	[sflag:s19] =	ssyncset.done $0x0  }
0x93: {  	[sflag:s19] =	ssyncadd.s32 $0xFFFFFB00  }
0x94: {  	_ =	swait.ge [sflag:s19], $0x500  }
0x95: {  	[sflag:s19] =	ssyncset.done $0x0  }
0x96: {  	[sflag:s19] =	ssyncadd.s32 $0xFFFFFB00  }
0x97: {  	_ =	swait.ge [sflag:s19], $0x500  }
0x98: {  	[sflag:s19] =	ssyncset.done $0x0  }
0x99: {  	[sflag:s19] =	ssyncadd.s32 $0xFFFFFB00  }
0x9a: {  	_ =	swait.ge [sflag:s19], $0x500  }
0x9b: {  	[sflag:s19] =	ssyncset.done $0x0  }
0x9c: {  	[sflag:s19] =	ssyncadd.s32 $0xFFFFFB00  }
0x9d: {  	_ =	swait.ge [sflag:s19], $0x500  }
0x9e: {  	[sflag:s19] =	ssyncset.done $0x0  }
0x9f: {  	[sflag:s19] =	ssyncadd.s32 $0xFFFFFB00  }
.LBB2_22:
0xa0: {  	s23 =	sshll.u32 s23, $0x3  }
0xa1: {  	s23 =	sadd.s32 s6, s23  }
0xa2: {  	s24 =	smul.u32 $0xA0, s23;
	_ =	sdelay $0x1  }
0xa3: {  	s26 =	simm.s32 $0x7800;
	s25 =	sadd.s32 s2, s24  }
0xa4: {  	s28 =	simm.s32 $0x8;
	s29 =	simm.s32 $0x7880;
	s30 =	sadd.s32 $0x0, s25  }
.LBB2_23:
0xa5: {  	[hbm4b:s30+s3] =	stream.linear.scatter [tilespmem:s26], [sflag:$0x4], $0x40, $0x38;
	[tilespmem:$0xC800] =	vst v63  }
0xa6: {  	s30 =	smov.u32 s28;
	s26 =	smov.u32 s29;
	p0 =	sne.s32 s28, $0x98  }
.Ltmp11:
0xa7: {  	s28 =	sadd.s32 $0x8, s28;
	(pc) =	sbr.rel @p0 .LBB2_23-.Ltmp11, $2  }
0xa8: {  	_ =	sdelay $0x2  }
0xa9: {  	s29 =	sadd.s32 $0x80, s29;
	s30 =	sadd.s32 s30, s25  }
0xaa: {  	[hbm4b:s30+s3] =	stream.linear.scatter [tilespmem:s26], [sflag:$0x4], $0x40, $0x38;
	[tilespmem:$0xC800] =	vst v63  }
0xab: {  	s24 =	sadd.s32 s24, s7;
	s25 =	simm.s32 $0x8200  }
0xac: {  	s26 =	simm.s32 $0x8;
	s28 =	simm.s32 $0x8280;
	s29 =	sadd.s32 $0x0, s24  }
.LBB2_25:
0xad: {  	[hbm4b:s29+s3] =	stream.linear.scatter [tilespmem:s25], [sflag:$0x4], $0x40, $0x38;
	[tilespmem:$0xC800] =	vst v63  }
0xae: {  	s29 =	smov.u32 s26;
	s25 =	smov.u32 s28;
	p0 =	sne.s32 s26, $0x98  }
.Ltmp12:
0xaf: {  	s26 =	sadd.s32 $0x8, s26;
	(pc) =	sbr.rel @p0 .LBB2_25-.Ltmp12, $2  }
0xb0: {  	_ =	sdelay $0x2  }
0xb1: {  	s28 =	sadd.s32 $0x80, s28;
	s29 =	sadd.s32 s29, s24  }
0xb2: {  	s23 =	smul.u32 $0x500, s23  }
0xb3: {  	[hbm4b:s29+s3] =	stream.linear.scatter [tilespmem:s25], [sflag:$0x4], $0x40, $0x38;
	[tilespmem:$0xC800] =	vst v63  }
0xb4: {  	s23 =	sshrl.u32 s23, $0x3  }
0xb5: {  	s23 =	sadd.s32 s2, s23  }
0xb6: {  	s25 =	simm.s32 $0x8C00;
	s24 =	sadd.s32 $0x140, s23  }
0xb7: {  	s26 =	simm.s32 $0x8;
	s28 =	simm.s32 $0x8C80;
	s29 =	sadd.s32 $0x0, s24  }
.LBB2_27:
0xb8: {  	[hbm4b:s29+s3] =	stream.linear.scatter [tilespmem:s25], [sflag:$0x4], $0x40, $0x38;
	[tilespmem:$0xC800] =	vst v63  }
0xb9: {  	s29 =	smov.u32 s26;
	s25 =	smov.u32 s28;
	p0 =	sne.s32 s26, $0x98  }
.Ltmp13:
0xba: {  	s26 =	sadd.s32 $0x8, s26;
	(pc) =	sbr.rel @p0 .LBB2_27-.Ltmp13, $2  }
0xbb: {  	_ =	sdelay $0x2  }
0xbc: {  	s28 =	sadd.s32 $0x80, s28;
	s29 =	sadd.s32 s29, s24  }
0xbd: {  	[hbm4b:s29+s3] =	stream.linear.scatter [tilespmem:s25], [sflag:$0x4], $0x40, $0x38;
	[tilespmem:$0xC800] =	vst v63  }
0xbe: {  	s24 =	sadd.s32 $0x1E0, s23;
	s25 =	simm.s32 $0x9600  }
0xbf: {  	s26 =	simm.s32 $0x8;
	s28 =	simm.s32 $0x9680;
	s29 =	sadd.s32 $0x0, s24  }
.LBB2_29:
0xc0: {  	[hbm4b:s29+s3] =	stream.linear.scatter [tilespmem:s25], [sflag:$0x4], $0x40, $0x38;
	[tilespmem:$0xC800] =	vst v63  }
0xc1: {  	s29 =	smov.u32 s26;
	s25 =	smov.u32 s28;
	p0 =	sne.s32 s26, $0x98  }
.Ltmp14:
0xc2: {  	s26 =	sadd.s32 $0x8, s26;
	(pc) =	sbr.rel @p0 .LBB2_29-.Ltmp14, $2  }
0xc3: {  	_ =	sdelay $0x2  }
0xc4: {  	s28 =	sadd.s32 $0x80, s28;
	s29 =	sadd.s32 s29, s24  }
0xc5: {  	[hbm4b:s29+s3] =	stream.linear.scatter [tilespmem:s25], [sflag:$0x4], $0x40, $0x38;
	[tilespmem:$0xC800] =	vst v63  }
0xc6: {  	s24 =	sadd.s32 $0x280, s23;
	s25 =	simm.s32 $0xA000  }
0xc7: {  	s26 =	simm.s32 $0x8;
	s28 =	simm.s32 $0xA080;
	s29 =	sadd.s32 $0x0, s24  }
.LBB2_31:
0xc8: {  	[hbm4b:s29+s3] =	stream.linear.scatter [tilespmem:s25], [sflag:$0x4], $0x40, $0x38;
	[tilespmem:$0xC800] =	vst v63  }
0xc9: {  	s29 =	smov.u32 s26;
	s25 =	smov.u32 s28;
	p0 =	sne.s32 s26, $0x98  }
.Ltmp15:
0xca: {  	s26 =	sadd.s32 $0x8, s26;
	(pc) =	sbr.rel @p0 .LBB2_31-.Ltmp15, $2  }
0xcb: {  	_ =	sdelay $0x2  }
0xcc: {  	s28 =	sadd.s32 $0x80, s28;
	s29 =	sadd.s32 s29, s24  }
0xcd: {  	[hbm4b:s29+s3] =	stream.linear.scatter [tilespmem:s25], [sflag:$0x4], $0x40, $0x38;
	[tilespmem:$0xC800] =	vst v63  }
0xce: {  	s24 =	sadd.s32 $0x320, s23;
	s25 =	simm.s32 $0xAA00  }
0xcf: {  	s26 =	simm.s32 $0x8;
	s28 =	simm.s32 $0xAA80;
	s29 =	sadd.s32 $0x0, s24  }
.LBB2_33:
0xd0: {  	[hbm4b:s29+s3] =	stream.linear.scatter [tilespmem:s25], [sflag:$0x4], $0x40, $0x38;
	[tilespmem:$0xC800] =	vst v63  }
0xd1: {  	s29 =	smov.u32 s26;
	s25 =	smov.u32 s28;
	p0 =	sne.s32 s26, $0x98  }
.Ltmp16:
0xd2: {  	s26 =	sadd.s32 $0x8, s26;
	(pc) =	sbr.rel @p0 .LBB2_33-.Ltmp16, $2  }
0xd3: {  	_ =	sdelay $0x2  }
0xd4: {  	s28 =	sadd.s32 $0x80, s28;
	s29 =	sadd.s32 s29, s24  }
0xd5: {  	[hbm4b:s29+s3] =	stream.linear.scatter [tilespmem:s25], [sflag:$0x4], $0x40, $0x38;
	[tilespmem:$0xC800] =	vst v63  }
0xd6: {  	s24 =	sadd.s32 $0x3C0, s23;
	s25 =	simm.s32 $0xB400  }
0xd7: {  	s26 =	simm.s32 $0x8;
	s28 =	simm.s32 $0xB480;
	s29 =	sadd.s32 $0x0, s24  }
.LBB2_35:
0xd8: {  	[hbm4b:s29+s3] =	stream.linear.scatter [tilespmem:s25], [sflag:$0x4], $0x40, $0x38;
	[tilespmem:$0xC800] =	vst v63  }
0xd9: {  	s29 =	smov.u32 s26;
	s25 =	smov.u32 s28;
	p0 =	sne.s32 s26, $0x98  }
.Ltmp17:
0xda: {  	s26 =	sadd.s32 $0x8, s26;
	(pc) =	sbr.rel @p0 .LBB2_35-.Ltmp17, $2  }
0xdb: {  	_ =	sdelay $0x2  }
0xdc: {  	s28 =	sadd.s32 $0x80, s28;
	s29 =	sadd.s32 s29, s24  }
0xdd: {  	[hbm4b:s29+s3] =	stream.linear.scatter [tilespmem:s25], [sflag:$0x4], $0x40, $0x38;
	[tilespmem:$0xC800] =	vst v63  }
0xde: {  	s23 =	sadd.s32 $0x460, s23;
	s24 =	simm.s32 $0xBE00  }
0xdf: {  	s25 =	simm.s32 $0x8;
	s26 =	simm.s32 $0xBE80;
	s28 =	sadd.s32 $0x0, s23  }
.LBB2_37:
0xe0: {  	[hbm4b:s28+s3] =	stream.linear.scatter [tilespmem:s24], [sflag:$0x4], $0x40, $0x38;
	[tilespmem:$0xC800] =	vst v63  }
0xe1: {  	s28 =	smov.u32 s25;
	s24 =	smov.u32 s26;
	p0 =	sne.s32 s25, $0x98  }
.Ltmp18:
0xe2: {  	s25 =	sadd.s32 $0x8, s25;
	(pc) =	sbr.rel @p0 .LBB2_37-.Ltmp18, $2  }
0xe3: {  	_ =	sdelay $0x2  }
0xe4: {  	s26 =	sadd.s32 $0x80, s26;
	s28 =	sadd.s32 s28, s23  }
0xe5: {  	s22 =	sadd.s32 $0x1, s22  }
0xe6: {  	p0 =	sne.s32 s22, $0x20  }
.Ltmp19:
0xe7: {  	_ = 	snop;
	(pc) =	sbr.rel @p0 .LBB2_2-.Ltmp19, $2  }
0xe8: {  	_ =	sdelay $0x2  }
0xe9: {  	[hbm4b:s28+s3] =	stream.linear.scatter [tilespmem:s24], [sflag:$0x4], $0x40, $0x38;
	[tilespmem:$0xC800] =	vst v63  }
0xea: {  	_ =	swait.ge [sflag:s20], $0x500  }
0xeb: {  	[sflag:s20] =	ssyncset.done $0x0  }
0xec: {  	[sflag:s20] =	ssyncadd.s32 $0xFFFFFB00  }
0xed: {  	_ =	swait.ge [sflag:s20], $0x500  }
0xee: {  	[sflag:s20] =	ssyncset.done $0x0  }
0xef: {  	[sflag:s20] =	ssyncadd.s32 $0xFFFFFB00  }
0xf0: {  	_ =	swait.ge [sflag:s20], $0x500  }
0xf1: {  	[sflag:s20] =	ssyncset.done $0x0  }
0xf2: {  	[sflag:s20] =	ssyncadd.s32 $0xFFFFFB00  }
0xf3: {  	_ =	swait.ge [sflag:s20], $0x500  }
0xf4: {  	[sflag:s20] =	ssyncset.done $0x0  }
0xf5: {  	[sflag:s20] =	ssyncadd.s32 $0xFFFFFB00  }
0xf6: {  	_ =	swait.ge [sflag:s20], $0x500  }
0xf7: {  	[sflag:s20] =	ssyncset.done $0x0  }
0xf8: {  	[sflag:s20] =	ssyncadd.s32 $0xFFFFFB00  }
0xf9: {  	_ =	swait.ge [sflag:s20], $0x500  }
0xfa: {  	[sflag:s20] =	ssyncset.done $0x0  }
0xfb: {  	[sflag:s20] =	ssyncadd.s32 $0xFFFFFB00  }
0xfc: {  	_ =	swait.ge [sflag:s20], $0x500  }
0xfd: {  	[sflag:s20] =	ssyncset.done $0x0  }
0xfe: {  	[sflag:s20] =	ssyncadd.s32 $0xFFFFFB00  }
0xff: {  	_ =	swait.ge [sflag:s20], $0x500  }
0x100: {  	[sflag:s20] =	ssyncset.done $0x0  }
0x101: {  	[sflag:s20] =	ssyncadd.s32 $0xFFFFFB00  }
0x102: {  	_ =	swait.ge [sflag:s19], $0x500  }
0x103: {  	[sflag:s19] =	ssyncset.done $0x0  }
0x104: {  	[sflag:s19] =	ssyncadd.s32 $0xFFFFFB00  }
0x105: {  	_ =	swait.ge [sflag:s19], $0x500  }
0x106: {  	[sflag:s19] =	ssyncset.done $0x0  }
0x107: {  	[sflag:s19] =	ssyncadd.s32 $0xFFFFFB00  }
0x108: {  	_ =	swait.ge [sflag:s19], $0x500  }
0x109: {  	[sflag:s19] =	ssyncset.done $0x0  }
0x10a: {  	[sflag:s19] =	ssyncadd.s32 $0xFFFFFB00  }
0x10b: {  	_ =	swait.ge [sflag:s19], $0x500  }
0x10c: {  	[sflag:s19] =	ssyncset.done $0x0  }
0x10d: {  	[sflag:s19] =	ssyncadd.s32 $0xFFFFFB00  }
0x10e: {  	_ =	swait.ge [sflag:s19], $0x500  }
0x10f: {  	[sflag:s19] =	ssyncset.done $0x0  }
0x110: {  	[sflag:s19] =	ssyncadd.s32 $0xFFFFFB00  }
0x111: {  	_ =	swait.ge [sflag:s19], $0x500  }
0x112: {  	[sflag:s19] =	ssyncset.done $0x0  }
0x113: {  	s21 =	sadd.s32 $0x1, s21;
	[sflag:s19] =	ssyncadd.s32 $0xFFFFFB00  }
0x114: {  	p0 =	sne.s32 s21, s10;
	_ =	swait.ge [sflag:s19], $0x500  }
.Ltmp20:
0x115: {  	[sflag:s19] =	ssyncset.done $0x0;
	(pc) =	sbr.rel @p0 .LBB2_1-.Ltmp20, $4  }
0x116: {  	[sflag:s19] =	ssyncadd.s32 $0xFFFFFB00  }
0x117: {  	_ =	swait.ge [sflag:s19], $0x500  }
0x118: {  	[sflag:s19] =	ssyncset.done $0x0  }
0x119: {  	[sflag:s19] =	ssyncadd.s32 $0xFFFFFB00  }
0x11a: {  	_ =	sfence.sel $0x180000  }
0x11b: {  	[bflag:$0x0] =	sbarrier.arrive $0xFFFF  }
0x11c: {  	p0 =	sne.s32 s0, $0x0;
	_ =	strace $0x90000047  }
0x11d: {  	s0 =	sadd.s32 @!p0 $0x100000, s1;
	[bflag:$0x2] =	sbarrier.arrive $0xFFFF  }
0x11e: {  	[sflag:s0] =	ssyncadd.tile.s32 @!p0 $0x1;
	_ =	shalt  }
.Lfunc_end2:
_tile_overlayer_lowered:
.L_overlay_start_2:
0x11f: {  	(tag) =	ssettag $0x2  }
0x120: {  	s0 =	rddreg [dreg:$0x0];
	s2 =	stileid.u32  }
0x121: {  	s1 =	rddreg [dreg:$0x1];
	p0 =	sne.s32 s2, $0x0  }
0x122: {  	s3 =	rddreg [dreg:$0x2];
	[bflag:$0x3] =	sbarrier.arrive $0xFFFF;
	s2 =	simm.s32 @!p0 $0x1C05  }
0x123: {  	[timem:s3], [sflag:s2] =	dma.local @!p0 [hbm:s0], s1  }
0x124: {  	s0 =	simm.s32 @!p0 $0x5  }
0x125: {  	_ =	swait.ge @!p0 [sflag:s0], s1  }
0x126: {  	s1 =	ssub.s32 @!p0 $0x0, s1;
	[sflag:s0] =	ssyncset.done @!p0 $0x0  }
0x127: {  	[sflag:s0] =	ssyncadd.s32 @!p0 s1  }
0x128: {  	[bflag:$0x3] =	sbarrier.arrive $0xFFFF  }
0x129: {  	_ =	shalt  }

// kernel: sparse-core-data-format-call.cloned.1.call-start
scs
called_computation_lowered:
.L_overlay_start_0:
0x0: {  	s2 =	sld [smem:$0x3FD9]  }
0x1: {  	s3 =	sld [smem:$0x3FFE];
	_ =	sdelay $0x1  }
0x2: {  	s1 =	srdreg.scid  }
0x3: {  	s0 =	sand.u32 $0x1, s1  }
0x4: {  	s18 =	sshll.u32 s0, $0xA;
	s2 =	sadd.s32 s3, s2  }
0x5: {  	s2 =	sadd.s32 s2, s18  }
0x6: {  	[smem:$0x3FC6] =	sst s2  }
0x7: {  	_ = 	snop  }
0x8: {  	s2 =	sld [smem:$0x3FD0];
	(tm) =	ssettm $0x1  }
0x9: {  	s19 =	sld [smem:$0x3FFB];
	_ =	sdelay $0x3  }
0xa: {  	_ =	strace s19  }
0xb: {  	s3 =	sld [smem:$0x3FFC];
	_ =	sdelay $0x3  }
0xc: {  	_ =	strace s3  }
0xd: {  	s3 =	sld [smem:$0x3FFD];
	_ =	sdelay $0x3  }
0xe: {  	_ =	strace s3  }
0xf: {  	_ =	strace $0x8FFFFFFF  }
0x10: {  	s20 =	sld [smem:$0x3FDB];
	_ =	sdelay $0x1  }
0x11: {  	s4 =	simm.s32 $_scs_section_size  }
0x12: {  	s5 =	simm.s32 $_size__tile_overlayer_lowered;
	s6 =	simm.s32 $_tile_overlayer_lowered  }
0x13: {  	s23 =	simm.s32 $0x1BFF;
	s22 =	sshll.u32 s6, $0x1;
	s3 =	sadd.s32 s4, s20  }
0x14: {  	s7 =	simm.s32 $0x0;
	s21 =	sshll.u32 s5, $0x1;
	s5 =	sadd.s32 s22, s3  }
0x15: {  	[timem:s7], [sflag:s23] =	dma.local [hbm:s5], s21  }
0x16: {  	_ =	swait.ge [sflag:s23], s21  }
0x17: {  	s4 =	ssub.s32 $0x0, s21;
	[sflag:s23] =	ssyncset.done $0x0  }
0x18: {  	[sflag:s23] =	ssyncadd.s32 s4;
	_ =	sdelay $0x1  }
0x19: {  	s24 =	simm.s32 $0x1B8B  }
0x1a: {  	_ =	swait.ge [sflag:s24], $0x1  }
0x1b: {  	[sflag:s24] =	ssyncset.done $0x0  }
0x1c: {  	s26 =	simm.s32 $0x1B8E;
	s25 =	sld [smem:$0x3FFE];
	[sflag:s24] =	ssyncadd.s32 $0xFFFFFFFF  }
0x1d: {  	s27 =	simm.s32 $execute0_lowered;
	[smem:$0x3FD2] =	sst s26  }
0x1e: {  	s5 =	sshll.u32 s27, $0x1;
	_ =	strace $0x80000049;
	[dreg:$0x1] =	wrdreg $0xFFFFFFFF  }
0x1f: {  	s28 =	simm.s32 $_size_execute0_lowered;
	s3 =	sadd.s32 s3, s5;
	[dreg:$0x0] =	wrdreg $0x0  }
0x20: {  	s5 =	sshll.u32 s28, $0x1;
	[dreg:$0x2] =	wrdreg s3  }
0x21: {  	[dreg:$0x3] =	wrdreg s5  }
0x22: {  	[dreg:$0x4] =	wrdreg $0xC0  }
0x23: {  	_ =	task [dreg:s7], $0x5FFFF  }
0x24: {  	[dreg:$0x1] =	wrdreg $0xFFFFFFFF  }
0x25: {  	[dreg:$0x0] =	wrdreg $0x60  }
0x26: {  	[dreg:$0x2] =	wrdreg s25  }
0x27: {  	[dreg:$0x3] =	wrdreg s2  }
0x28: {  	[dreg:$0x4] =	wrdreg $0x9  }
0x29: {  	_ =	task.clear_ibuf [dreg:s7], $0x5FFFF;
	_ =	strace $0x90000049  }
0x2a: {  	s29 =	simm.s32 $0x9;
	_ =	strace $0x8000004B  }
0x2b: {  	_ =	swait.ge [sflag:s29], $0x1  }
0x2c: {  	[sflag:s29] =	ssyncadd.s32 $0xFFFFFFFF  }
0x2d: {  	_ =	strace $0x9000004B  }
0x2e: {  	_ =	sfence  }
0x2f: {  	s30 =	sld [smem:$0x0];
	_ =	sdelay $0x2  }
0x30: {  	s31 =	sshll.u32 s1, $0xD;
	s1 =	sshrl.u32 s1, $0x2  }
0x31: {  	s3 =	sand.u32 $0x4000, s31;
	s1 =	sadd.s32 s1, s30  }
0x32: {  	s0 =	sor.u32 s3, s0;
	s1 =	sshll.u32 s1, $0x11  }
0x33: {  	s0 =	sor.u32 s1, s0  }
0x34: {  	s0 =	sadd.s32 $0x8F2B, s0  }
0x35: {  	[sflag:s0] =	ssyncadd.remote.s32 $0x1  }
0x36: {  	_ =	sfence.sel $0xFFFF  }
0x37: {  	[dreg:$0x0] =	wrdreg $0xFFFFFFFF;
	(pc) =	sbr.abs _section_cstart, $3  }
0x38: {  	[dreg:$0x1] =	wrdreg $0xFFFFFFFF  }
0x39: {  	_ =	task.clear_ibuf [dreg:s7], $0x2FFFF;
	_ =	strace $0x9FFFFFFF  }
0x3a: {  	(tm) =	ssettm $0x7FFFFFFF  }
0x3b: {  	_ =	shalt  }
tec
execute0_lowered:
.L_overlay_start_1:
0x0: {  	(tag) =	ssettag $0x1  }
0x1: {  	s0 =	srdreg.scid  }
0x2: {  	s1 =	sshll.u32 s0, $0x4  }
0x3: {  	s0 =	stileid.u32;
	s1 =	sand.u32 $0x10, s1  }
0x4: {  	s1 =	sor.u32 s0, s1  }
0x5: {  	s6 =	rddreg [dreg:$0x0];
	s4 =	simm.s32 $0x1;
	s2 =	sshll.u32 s1, $0x7  }
0x6: {  	s7 =	simm.s32 $0x2;
	s12 =	simm.s32 $0x0;
	s1 =	ssub.s32 $0x4000, s2  }
0x7: {  	s8 =	simm.s32 $0x20000;
	s13 =	simm.s32 $0x0;
	s3 =	sand.u32 $0xF80, s1  }
0x8: {  	s9 =	simm.s32 $0x0;
	s5 =	sshrl.u32 s1, $0xC;
	p0 =	sne.s32 s3, $0x0  }
.Ltmp0:
0x9: {  	s1 =	rddreg [dreg:$0x2];
	s4 =	simm.s32 @!p0 $0x0;
	(pc) =	sbr.rel .LBB1_1-.Ltmp0, $4  }
0xa: {  	s11 =	simm.s32 $0x0;
	s3 =	rddreg [dreg:$0x1];
	s5 =	sadd.s32 s4, s5  }
0xb: {  	_ =	strace $0x8000004A;
	s4 =	simm.s32 $0x1;
	s5 =	smul.u32 $0x14, s5  }
0xc: {  	s6 =	sadd.s32 $0xA00, s6;
	s10 =	smov.u32 s2;
	[sflag:s4] =	ssyncpa.u1 $0x0  }
0xd: {  	p0 =	por $0x0, $0x0;
	[sflag:s7] =	ssyncpa.u1 $0x0;
	s7 =	sor.u32 $0x1, s5  }
.LBB1_4:
0xe: {  	s16 =	sshll.u32 s13, $0x3;
	s17 =	sand.u32 $0x78, s13  }
0xf: {  	s30 =	sand.u32 $0x1F800, s13;
	s12 =	sshll.u32 s12, $0x11;
	s16 =	sand.u32 $0x3C00, s16  }
0x10: {  	[tilespmem:s15+$0x810 ss:$0x81] =	vst.msk $0xffff, v2;
	s31 =	sand.u32 $0x7, s13;
	s16 =	sor.u32 s17, s16;
	s17 =	sadd.s32 s3, s30  }
0x11: {  	[tilespmem:s15+$0x1020 ss:$0x81] =	vst.msk $0xffff, v0;
	s13 =	sshll.u32 s31, $0x12;
	s12 =	sadd.s32 s12, s17;
	s16 =	sshrl.u32 s16, $0x3  }
0x12: {  	[tilespmem:s15+$0x0 ss:$0x81] =	vst.msk $0xffff, v1;
	s13 =	sor.u32 $0x400, s13;
	s12 =	sadd.s32 s16, s12  }
0x13: {  	[hbm4b:s12+s13] =	stream.strided.scatter [tilespmem:s14], [sflag:$0x2], $0x2000, s8, s13, $0x20;
	[tilespmem:$0x8080] =	vst v63  }
.LBB1_5:
0x14: {  	s14 =	sadd.s32 $0x1, s9  }
0x15: {  	s12 =	sadd.s32 $0x1000, s10;
	s16 =	smov.u32 s10;
	p2 =	sgt.s32 s14, $0x13  }
0x16: {  	s16 =	smov.u32 @p2 s12  }
0x17: {  	s14 =	simm.s32 @p2 $0x0;
	p2 =	sgt.s32 s16, $0x3FFF  }
0x18: {  	s16 =	smov.u32 @p2 s2;
	p2 =	sne.s32 s11, s7  }
.Ltmp1:
0x19: {  	p1 =	slt.u32 s11, $0x2;
	(pc) =	sbr.rel @!p2 .LBB1_6-.Ltmp1, $4  }
0x1a: {  	s15 =	simm.s32 @!p1 $0x2  }
0x1b: {  	s13 =	smov.u32 s10;
	p0 =	por !p0, !p0;
	_ =	swait.ge @!p1 [sflag:s15], $0x2000  }
0x1c: {  	s12 =	smov.u32 s9;
	[sflag:s15] =	ssyncset.done @!p1 $0x0;
	s9 =	smov.u32 s14  }
0x1d: {  	s11 =	sadd.s32 $0x1, s11;
	[sflag:s15] =	ssyncadd.s32 @!p1 $0xFFFFE000;
	s10 =	smov.u32 s16  }
.LBB1_1:
0x1e: {  	p1 =	sge.u32 s11, s5  }
0x1f: {  	s14 =	sand.u32 @!p1 $0x1FFFFFF, s9  }
0x20: {  	s15 =	smulhi.u32 @!p1 $0xAAAAAAB, s14;
	_ =	sdelay $0x1  }
0x21: {  	s15 =	smul.u32 @!p1 $0x18, s15  }
0x22: {  	s16 =	sxor.u32 @!p1 $0xFFFFFFFF, s11;
	s17 =	smul.u32 @!p1 $0x180, s10  }
0x23: {  	s31 =	sadd.s32 $0xFFFFFFFF, s11;
	s16 =	sshll.u32 @!p1 s16, $0xD;
	s14 =	ssub.s32 @!p1 s14, s15  }
0x24: {  	s15 =	sand.u32 @!p1 $0x2000, s16;
	s16 =	sadd.s32 @!p1 s6, s17;
	s14 =	sshll.u32 @!p1 s14, $0x4  }
0x25: {  	s17 =	simm.s32 @!p1 $0xC00;
	s14 =	sadd.s32 @!p1 s14, s16;
	s16 =	simm.s32 @!p1 $0x40  }
0x26: {  	[tilespmem:s15], [sflag:$0x1] =	stream.strided.gather @!p1 [hbm4b:s14+s16], $0x2000, s17, s16, $0x38;
	[tilespmem:$0x8080] =	vst v63  }
0x27: {  	p1 =	sge.u32 s31, s5  }
.Ltmp2:
0x28: {  	_ = 	snop;
	(pc) =	sbr.rel @p1 .LBB1_5-.Ltmp2, $1  }
0x29: {  	_ =	sdelay $0x3  }
0x2a: {  	s14 =	simm.s32 $0x1  }
0x2b: {  	_ =	swait.ge [sflag:s4], $0x2000;
	s14 =	simm.s32 @!p0 $0x0  }
0x2c: {  	[sflag:s4] =	ssyncset.done $0x0;
	s15 =	sshll.u32 s14, $0xD  }
0x2d: {  	[sflag:s4] =	ssyncadd.s32 $0xFFFFE000;
	s18 =	sor.u32 $0x20, s15  }
0x2e: {  	s14 =	smul.u32 $0x8100, s14;
	v3 =	vld [tilespmem:s18+$0x10]  }
0x2f: {  	s30 =	sand.u32 $0x1, s11;
	v2 =	vld [tilespmem:s18+$0xFFFFFFF0]  }
0x30: {  	s15 =	smul.u32 $0x8100, s30;
	s14 =	sshrl.u32 s14, $0x2;
	v0 =	vld [tilespmem:s18+$0x0]  }
0x31: {  	v1 =	vld [tilespmem:s18+$0xFFFFFFE0];
	s16 =	sor.u32 $0x4000, s14  }
0x32: {  	s31 =	sshrl.u32 s15, $0x2;
	s15 =	sadd.s32 $0x0, s16  }
0x33: {  	s17 =	simm.s32 $0x4;
	s18 =	sadd.s32 $0x40, s18;
	s14 =	sor.u32 $0x4000, s31;
	[tilespmem:s15+$0x1830 ss:$0x81] =	vst.msk $0xffff, v3  }
.LBB1_3:
0x34: {  	v3 =	vld [tilespmem:s18+$0x10];
	p1 =	sne.s32 s17, $0x1FC;
	[tilespmem:s15+$0x810 ss:$0x81] =	vst.msk $0xffff, v2;
	s19 =	smov.u32 s17;
	s17 =	sadd.s32 $0x4, s17  }
.Ltmp3:
0x35: {  	v2 =	vld [tilespmem:s18+$0xFFFFFFF0];
	[tilespmem:s15+$0x1020 ss:$0x81] =	vst.msk $0xffff, v0;
	(pc) =	sbr.rel @p1 .LBB1_3-.Ltmp3, $4  }
0x36: {  	v0 =	vld [tilespmem:s18+$0x0];
	[tilespmem:s15+$0x0 ss:$0x81] =	vst.msk $0xffff, v1  }
0x37: {  	s15 =	sshra.s32 s19, $0x2;
	v1 =	vld [tilespmem:s18+$0xFFFFFFE0]  }
0x38: {  	s15 =	sadd.s32 s15, s16  }
0x39: {  	s18 =	sadd.s32 $0x40, s18;
	[tilespmem:s15+$0x1830 ss:$0x81] =	vst.msk $0xffff, v3  }
.Ltmp4:
0x3a: {  	_ = 	snop;
	(pc) =	sbr.rel .LBB1_4-.Ltmp4, $1  }
0x3b: {  	_ =	sdelay $0x3  }
.LBB1_6:
0x3c: {  	_ =	sfence.sel $0x180000  }
0x3d: {  	s2 =	simm.s32 $0x1;
	[bflag:$0x0] =	sbarrier.arrive $0xFFFF  }
0x3e: {  	s31 =	simm.s32 $0x2;
	[sflag:s2] =	ssyncpa.u1 $0x1  }
0x3f: {  	[sflag:s31] =	ssyncpa.u1 $0x1  }
0x40: {  	p0 =	sne.s32 s0, $0x0;
	_ =	strace $0x9000004A  }
0x41: {  	s0 =	sadd.s32 @!p0 $0x100000, s1;
	[bflag:$0x2] =	sbarrier.arrive $0xFFFF  }
0x42: {  	[sflag:s0] =	ssyncadd.tile.s32 @!p0 $0x1;
	_ =	shalt  }
.Lfunc_end1:
_tile_overlayer_lowered:
.L_overlay_start_2:
0x43: {  	(tag) =	ssettag $0x2  }
0x44: {  	s0 =	rddreg [dreg:$0x0];
	s2 =	stileid.u32  }
0x45: {  	s1 =	rddreg [dreg:$0x1];
	p0 =	sne.s32 s2, $0x0  }
0x46: {  	s3 =	rddreg [dreg:$0x2];
	[bflag:$0x3] =	sbarrier.arrive $0xFFFF;
	s2 =	simm.s32 @!p0 $0x1C01  }
0x47: {  	[timem:s3], [sflag:s2] =	dma.local @!p0 [hbm:s0], s1  }
0x48: {  	s0 =	simm.s32 @!p0 $0x1  }
0x49: {  	_ =	swait.ge @!p0 [sflag:s0], s1  }
0x4a: {  	s1 =	ssub.s32 @!p0 $0x0, s1;
	[sflag:s0] =	ssyncset.done @!p0 $0x0  }
0x4b: {  	[sflag:s0] =	ssyncadd.s32 @!p0 s1  }
0x4c: {  	[bflag:$0x3] =	sbarrier.arrive $0xFFFF  }
0x4d: {  	_ =	shalt  }

</sc_bundles>
